<compile_context>
chip_gen: v7x
topology: tpu7x:2x2x1
jax: 0.10.2.dev20260603
libtpu: 0.0.44.dev20260713+nightly
codegen_flags: <defaults>
</compile_context>

<pallas_src>
import functools

import jax
import jax.numpy as jnp
from jax import lax
from jax.experimental import pallas as pl
from jax.experimental.pallas import tpu as pltpu
from jax.experimental.pallas import tpu_sc as plsc

_INTERPRET = False

T = 2048
H = 1024
M = 512
E = 64
BT = 128
NB = 96
NSLOT = NB * BT
NTB = T // BT


def _sigmoid(x):
    return 1.0 / (1.0 + jnp.exp(-x))


def _top2_cols(probs_t):
    sub = jax.lax.broadcasted_iota(jnp.int32, probs_t.shape, 0)
    m0 = jnp.max(probs_t, axis=0, keepdims=True)
    i0 = jnp.min(jnp.where(probs_t == m0, sub, jnp.int32(E)), axis=0, keepdims=True)
    p1 = jnp.where(sub == i0, -1.0, probs_t)
    m1 = jnp.max(p1, axis=0, keepdims=True)
    i1 = jnp.min(jnp.where(p1 == m1, sub, jnp.int32(E)), axis=0, keepdims=True)
    return m0, m1, i0, i1


def _router_kernel(x_ref, wr_ref, b_ref, pos_ref, be_ref):
    x = x_ref[...]
    wr = wr_ref[...]
    logits_t = jax.lax.dot_general(wr, x, (((1,), (1,)), ((), ())),
                                   preferred_element_type=jnp.float32)
    logits_t = logits_t + b_ref[...]
    probs_t = _sigmoid(logits_t)
    _, _, i0, i1 = _top2_cols(probs_t)

    sub = jax.lax.broadcasted_iota(jnp.int32, (E, T), 0)
    oh0 = (sub == i0).astype(jnp.float32)
    oh1 = (sub == i1).astype(jnp.float32)

    lane = jax.lax.broadcasted_iota(jnp.int32, (BT, BT), 1)
    row = jax.lax.broadcasted_iota(jnp.int32, (BT, BT), 0)
    tri_incl = (row <= lane).astype(jnp.float32)
    excl_chunks0, excl_chunks1 = [], []
    carry0 = jnp.zeros((E, 1), jnp.float32)
    carry1 = jnp.zeros((E, 1), jnp.float32)
    for c in range(T // BT):
        ch0 = oh0[:, c * BT:(c + 1) * BT]
        ch1 = oh1[:, c * BT:(c + 1) * BT]
        incl0 = jax.lax.dot_general(ch0, tri_incl, (((1,), (0,)), ((), ())),
                                    preferred_element_type=jnp.float32) + carry0
        incl1 = jax.lax.dot_general(ch1, tri_incl, (((1,), (0,)), ((), ())),
                                    preferred_element_type=jnp.float32) + carry1
        excl_chunks0.append(incl0 - ch0)
        excl_chunks1.append(incl1 - ch1)
        carry0 = incl0[:, BT - 1:BT]
        carry1 = incl1[:, BT - 1:BT]
    excl0 = jnp.concatenate(excl_chunks0, axis=1)
    excl1 = jnp.concatenate(excl_chunks1, axis=1)
    count0 = carry0
    counts = carry0 + carry1

    pc = (((counts.astype(jnp.int32) + (BT - 1)) // BT) * BT).astype(jnp.float32)
    er = jax.lax.broadcasted_iota(jnp.int32, (E, E), 0)
    ec = jax.lax.broadcasted_iota(jnp.int32, (E, E), 1)
    tri_excl = (er > ec).astype(jnp.float32)
    off = jax.lax.dot_general(tri_excl, pc, (((1,), (0,)), ((), ())),
                              preferred_element_type=jnp.float32)

    pos0 = jnp.sum(off * oh0 + excl0 * oh0, axis=0, keepdims=True)
    pos1 = jnp.sum((off + count0) * oh1 + excl1 * oh1, axis=0, keepdims=True)

    sub8 = jax.lax.broadcasted_iota(jnp.int32, (8, T), 0)
    pos_ref[...] = jnp.where(sub8 == 0, pos0, jnp.where(sub8 == 1, pos1, 0.0)
                             ).astype(jnp.int32)

    ends = off + pc
    bcol = jax.lax.broadcasted_iota(jnp.int32, (E, 128), 1).astype(jnp.float32) * BT
    bexp = jnp.sum((ends <= bcol).astype(jnp.float32), axis=0, keepdims=True)
    bexp = jnp.minimum(bexp, float(E - 1))
    sub8b = jax.lax.broadcasted_iota(jnp.int32, (8, 128), 0)
    be_ref[...] = jnp.where(sub8b == 0, bexp, 0.0).astype(jnp.int32)


def _router(x_flat, wr, bias):
    return pl.pallas_call(
        _router_kernel,
        out_shape=(jax.ShapeDtypeStruct((8, T), jnp.int32),
                   jax.ShapeDtypeStruct((8, 128), jnp.int32)),
        interpret=_INTERPRET,
    )(x_flat, wr, bias.reshape(E, 1))


def _expert_block(x, wg, wu, wd):
    xb = x.astype(jnp.bfloat16)
    g = jax.lax.dot_general(xb, wg.astype(jnp.bfloat16), (((1,), (1,)), ((), ())),
                            preferred_element_type=jnp.float32)
    u = jax.lax.dot_general(xb, wu.astype(jnp.bfloat16), (((1,), (1,)), ((), ())),
                            preferred_element_type=jnp.float32)
    a = (g * _sigmoid(g) * u).astype(jnp.bfloat16)
    return jax.lax.dot_general(a, wd.astype(jnp.bfloat16), (((1,), (1,)), ((), ())),
                               preferred_element_type=jnp.float32)


def _gmm_kernel(be_ref, xs_ref, wg_ref, wu_ref, wd_ref, ys_ref):
    del be_ref
    ys_ref[...] = _expert_block(xs_ref[...], wg_ref[0], wu_ref[0], wd_ref[0])


def _grouped_mlp(be, x_sorted, wg, wu, wd):
    grid_spec = pltpu.PrefetchScalarGridSpec(
        num_scalar_prefetch=1,
        grid=(NB,),
        in_specs=[
            pl.BlockSpec((BT, H), lambda b, be: (b, 0)),
            pl.BlockSpec((1, M, H), lambda b, be: (be[0, b], 0, 0)),
            pl.BlockSpec((1, M, H), lambda b, be: (be[0, b], 0, 0)),
            pl.BlockSpec((1, H, M), lambda b, be: (be[0, b], 0, 0)),
        ],
        out_specs=pl.BlockSpec((BT, H), lambda b, be: (b, 0)),
    )
    return pl.pallas_call(
        _gmm_kernel,
        grid_spec=grid_spec,
        out_shape=jax.ShapeDtypeStruct((NSLOT, H), jnp.float32),
        interpret=_INTERPRET,
    )(be, x_sorted, wg, wu, wd)


def _combine_kernel(x_ref, y0_ref, y1_ref, wr_ref, b_ref,
                    wgs_ref, wus_ref, wds_ref, o_ref):
    x = x_ref[...]
    logits = jax.lax.dot_general(x, wr_ref[...], (((1,), (1,)), ((), ())),
                                 preferred_element_type=jnp.float32)
    logits = logits + b_ref[...]
    probs = _sigmoid(logits)
    lane = jax.lax.broadcasted_iota(jnp.int32, probs.shape, 1)
    m0 = jnp.max(probs, axis=1, keepdims=True)
    i0 = jnp.min(jnp.where(probs == m0, lane, jnp.int32(E)), axis=1, keepdims=True)
    p1 = jnp.where(lane == i0, -1.0, probs)
    m1 = jnp.max(p1, axis=1, keepdims=True)
    denom = m0 + m1 + 1e-9
    w0 = m0 / denom
    w1 = m1 / denom
    shared = _expert_block(x, wgs_ref[...], wus_ref[...], wds_ref[...])
    o_ref[...] = w0 * y0_ref[...] + w1 * y1_ref[...] + shared


def _combine(x_flat, y0, y1, wr, bias, wgs, wus, wds):
    return pl.pallas_call(
        _combine_kernel,
        grid=(NTB,),
        in_specs=[
            pl.BlockSpec((BT, H), lambda t: (t, 0)),
            pl.BlockSpec((BT, H), lambda t: (t, 0)),
            pl.BlockSpec((BT, H), lambda t: (t, 0)),
            pl.BlockSpec((E, H), lambda t: (0, 0)),
            pl.BlockSpec((1, E), lambda t: (0, 0)),
            pl.BlockSpec((M, H), lambda t: (0, 0)),
            pl.BlockSpec((M, H), lambda t: (0, 0)),
            pl.BlockSpec((H, M), lambda t: (0, 0)),
        ],
        out_specs=pl.BlockSpec((BT, H), lambda t: (t, 0)),
        out_shape=jax.ShapeDtypeStruct((T, H), jnp.float32),
        interpret=_INTERPRET,
    )(x_flat, y0, y1, wr, bias.reshape(1, E), wgs, wus, wds)



_NC = 2
_NS = 16
_NW = _NC * _NS
_SPW = NSLOT // _NW
_TPW = T // _NW
_RCH = 64

_sc_mesh = plsc.VectorSubcoreMesh(core_axis_name="c", subcore_axis_name="s")
_sc_params = pltpu.CompilerParams(needs_layout_passes=False)


def _wid():
    return lax.axis_index("s") * _NC + lax.axis_index("c")


def _scatter_x(x_flat, pos):

    @functools.partial(
        pl.kernel, mesh=_sc_mesh, compiler_params=_sc_params,
        out_type=jax.ShapeDtypeStruct((NSLOT, H), jnp.float32),
        scratch_types=[
            pltpu.VMEM((T,), jnp.int32),
            pltpu.VMEM((T,), jnp.int32),
            pltpu.VMEM((_TPW, H), jnp.float32),
            pltpu.SemaphoreType.DMA,
        ],
    )
    def k(x_hbm, pos_hbm, xs_hbm, pos0_v, pos1_v, rows_v, sem):
        tb = _wid() * _TPW
        pltpu.sync_copy(x_hbm.at[pl.ds(tb, _TPW)], rows_v)
        pltpu.sync_copy(pos_hbm.at[0], pos0_v)
        pltpu.sync_copy(pos_hbm.at[1], pos1_v)
        copies = []
        for pv in (pos0_v, pos1_v):
            for j in range(_TPW // 16):
                idx = pv[pl.ds(tb + 16 * j, 16)]
                copies.append(pltpu.async_copy(
                    rows_v.at[pl.ds(16 * j, 16)], xs_hbm.at[idx], sem))
        for c in copies:
            c.wait()

    return k(x_flat, pos)


def _gather_y(y_sorted, pos):

    @functools.partial(
        pl.kernel, mesh=_sc_mesh, compiler_params=_sc_params,
        out_type=(jax.ShapeDtypeStruct((T, H), jnp.float32),
                  jax.ShapeDtypeStruct((T, H), jnp.float32)),
        scratch_types=[
            pltpu.VMEM((T,), jnp.int32),
            pltpu.VMEM((_TPW, H), jnp.float32),
            pltpu.SemaphoreType.DMA,
        ],
    )
    def k(ys_hbm, pos_hbm, y0_hbm, y1_hbm, pos_v, rows_v, sem):
        tbase = _wid() * _TPW
        pltpu.sync_copy(pos_hbm.at[0], pos_v)
        pltpu.async_copy(ys_hbm.at[pos_v.at[pl.ds(tbase, _TPW)]],
                         rows_v, sem).wait()
        pltpu.sync_copy(rows_v, y0_hbm.at[pl.ds(tbase, _TPW)])
        pltpu.sync_copy(pos_hbm.at[1], pos_v)
        pltpu.async_copy(ys_hbm.at[pos_v.at[pl.ds(tbase, _TPW)]],
                         rows_v, sem).wait()
        pltpu.sync_copy(rows_v, y1_hbm.at[pl.ds(tbase, _TPW)])

    return k(y_sorted, pos)


def kernel(x, Wr, bias, Wg, Wu, Wd, Wg_s, Wu_s, Wd_s):
    b, s, h = x.shape
    x_flat = x.reshape(b * s, h)

    pos, be = _router(x_flat, Wr, bias)
    x_sorted = _scatter_x(x_flat, pos)
    y_sorted = _grouped_mlp(be, x_sorted, Wg, Wu, Wd)
    y0, y1 = _gather_y(y_sorted, pos)
    out = _combine(x_flat, y0, y1, Wr, bias, Wg_s, Wu_s, Wd_s)
    return out.reshape(b, s, h)

# --- scband reference (transcript-rebuilt; emitter-appended) ---
"""Pipeline reference for scband-mlp-59296318488700 (READ-ONLY COPY).

The authoritative reference and input builder live on the scoring server;
editing this copy changes nothing except your own understanding.
"""

import jax, jax.numpy as jnp
import numpy as np

B, S, H = 1, 2048, 1024
M = 512
E = 64
TOPK = 2
SCALE = 1.0


def setup_inputs(seed: int = 0) -> dict:
    key = jax.random.key(seed)
    ks = jax.random.split(key, 9)
    x = jax.random.normal(ks[0], (B, S, H), dtype=jnp.float32)
    Wr = jax.random.normal(ks[1], (E, H), dtype=jnp.float32) * 0.02
    bias = jnp.zeros((E,), dtype=jnp.float32)
    Wg = jax.random.normal(ks[2], (E, M, H), dtype=jnp.float32) * 0.02
    Wu = jax.random.normal(ks[3], (E, M, H), dtype=jnp.float32) * 0.02
    Wd = jax.random.normal(ks[4], (E, H, M), dtype=jnp.float32) * 0.02
    Wg_s = jax.random.normal(ks[5], (M, H), dtype=jnp.float32) * 0.02
    Wu_s = jax.random.normal(ks[6], (M, H), dtype=jnp.float32) * 0.02
    Wd_s = jax.random.normal(ks[7], (H, M), dtype=jnp.float32) * 0.02
    return {"x": x, "Wr": Wr, "bias": bias, "Wg": Wg, "Wu": Wu, "Wd": Wd,
            "Wg_s": Wg_s, "Wu_s": Wu_s, "Wd_s": Wd_s}


def _expert(xo, wg, wu, wd):
    return (jax.nn.silu(xo @ wg.T) * (xo @ wu.T)) @ wd.T


def reference(x, Wr, bias, Wg, Wu, Wd, Wg_s, Wu_s, Wd_s):
    b, s, h = x.shape
    x_flat = x.reshape(b * s, h)
    logits = x_flat @ Wr.T + bias
    probs = jax.nn.sigmoid(logits)  # scoring_func == 'sigmoid'
    topk_val, topk_idx = jax.lax.top_k(probs, TOPK)
    # norm_topk_prob == True
    w = topk_val / (topk_val.sum(axis=-1, keepdims=True) + 1e-09)
    w = w * SCALE
    out = jnp.zeros_like(x_flat)
    for k in range(TOPK):
        idx_k = topk_idx[:, k]
        expert_out = jnp.zeros_like(x_flat)
        for e in range(E):
            sel = (idx_k == e)[:, None]
            yo = _expert(x_flat, Wg[e], Wu[e], Wd[e])
            expert_out = jnp.where(sel, yo, expert_out)
        out = out + expert_out * w[:, k:k + 1]
    shared = _expert(x_flat, Wg_s, Wu_s, Wd_s)
    out = out + shared
    return out.reshape(b, s, h)

if __name__ == "__main__":
    import jax
    _d = setup_inputs()
    print(jax.jit(kernel)(*tuple(_d.values())))

</pallas_src>

<mosaic_0001>
#map = affine_map<(d0, d1) -> (0, 0)>
module attributes {stable_mosaic.version = 14 : i64} {
  func.func @k(%arg0: i32, %arg1: i32, %arg2: memref<2048x1024xf32, #tpu.memory_space<hbm>>, %arg3: memref<8x2048xi32, #tpu.memory_space<hbm>>, %arg4: memref<12288x1024xf32, #tpu.memory_space<hbm>>, %arg5: memref<2048xi32, #tpu.memory_space<vmem>>, %arg6: memref<2048xi32, #tpu.memory_space<vmem>>, %arg7: memref<64x1024xf32, #tpu.memory_space<vmem>>, %arg8: memref<!tpu.dma_semaphore, #tpu.memory_space<semaphore_mem>>) attributes {dimension_semantics = [#tpu.dimension_semantics<core_parallel>, #tpu.dimension_semantics<subcore_parallel>], iteration_bounds = array<i64: 2, 16>, scalar_prefetch = 0 : i64, scratch_operands = 4 : i64, tpu.core_type = #tpu.core_type<sc_vector_subcore>, window_params = [{transform_indices = #map}, {transform_indices = #map}, {transform_indices = #map}]} {
    %mul3A = arith.constant 2 : i32
    %mul3A_0 = arith.muli %arg1, %mul3A : i32
    %add3A = arith.addi %mul3A_0, %arg0 : i32
    %mul3A_1 = arith.constant 64 : i32
    %mul3A_2 = arith.muli %add3A, %mul3A_1 : i32
    "tpu.region"() ({
      %run_scoped3A_129 = tpu.sem_alloc : memref<!tpu.dma_semaphore, #tpu.memory_space<semaphore_mem>>
      %dma_start3A_130 = arith.constant 0 : i32
      %dma_start3A_131 = tpu.memref_slice %arg2[%mul3A_2, %dma_start3A_130] : memref<2048x1024xf32, #tpu.memory_space<hbm>> -> memref<64x1024xf32, #tpu.memory_space<hbm>>
      %dma_start3A_132 = arith.constant 0 : i32
      %dma_start3A_133 = tpu.memref_slice %arg2[%mul3A_2, %dma_start3A_132] : memref<2048x1024xf32, #tpu.memory_space<hbm>> -> memref<64x1024xf32, #tpu.memory_space<hbm>>
      tpu.enqueue_dma source(%dma_start3A_133 : memref<64x1024xf32, #tpu.memory_space<hbm>>) target(%arg7 : memref<64x1024xf32, #tpu.memory_space<vmem>>) target_semaphore(%run_scoped3A_129 : memref<!tpu.dma_semaphore, #tpu.memory_space<semaphore_mem>>)
      %dma_wait3A_134 = arith.constant 0 : i32
      %dma_wait3A_135 = tpu.memref_slice %arg2[%mul3A_2, %dma_wait3A_134] : memref<2048x1024xf32, #tpu.memory_space<hbm>> -> memref<64x1024xf32, #tpu.memory_space<hbm>>
      %dma_wait3A_136 = arith.constant 0 : i32
      %dma_wait3A_137 = tpu.memref_slice %arg2[%mul3A_2, %dma_wait3A_136] : memref<2048x1024xf32, #tpu.memory_space<hbm>> -> memref<64x1024xf32, #tpu.memory_space<hbm>>
      tpu.wait_dma2 semaphore(%run_scoped3A_129 : memref<!tpu.dma_semaphore, #tpu.memory_space<semaphore_mem>>) src(%dma_wait3A_137 : memref<64x1024xf32, #tpu.memory_space<hbm>>) dst(%arg7 : memref<64x1024xf32, #tpu.memory_space<vmem>>)
      tpu.yield
    }) : () -> ()
    %run_scoped3A = arith.constant 0 : i32
    "tpu.region"() ({
      %run_scoped3A_129 = tpu.sem_alloc : memref<!tpu.dma_semaphore, #tpu.memory_space<semaphore_mem>>
      %dma_start3A_130 = arith.constant 0 : i32
      %dma_start3A_131 = tpu.memref_slice %arg3[%run_scoped3A, %dma_start3A_130] : memref<8x2048xi32, #tpu.memory_space<hbm>> -> memref<1x2048xi32, #tpu.memory_space<hbm>>
      %dma_start3A_132 = tpu.memref_squeeze %dma_start3A_131 : memref<1x2048xi32, #tpu.memory_space<hbm>> -> memref<2048xi32, #tpu.memory_space<hbm>>
      %dma_start3A_133 = arith.constant 0 : i32
      %dma_start3A_134 = tpu.memref_slice %arg3[%run_scoped3A, %dma_start3A_133] : memref<8x2048xi32, #tpu.memory_space<hbm>> -> memref<1x2048xi32, #tpu.memory_space<hbm>>
      %dma_start3A_135 = tpu.memref_squeeze %dma_start3A_134 : memref<1x2048xi32, #tpu.memory_space<hbm>> -> memref<2048xi32, #tpu.memory_space<hbm>>
      tpu.enqueue_dma source(%dma_start3A_135 : memref<2048xi32, #tpu.memory_space<hbm>>) target(%arg5 : memref<2048xi32, #tpu.memory_space<vmem>>) target_semaphore(%run_scoped3A_129 : memref<!tpu.dma_semaphore, #tpu.memory_space<semaphore_mem>>)
      %dma_wait3A_136 = arith.constant 0 : i32
      %dma_wait3A_137 = tpu.memref_slice %arg3[%run_scoped3A, %dma_wait3A_136] : memref<8x2048xi32, #tpu.memory_space<hbm>> -> memref<1x2048xi32, #tpu.memory_space<hbm>>
      %dma_wait3A_138 = tpu.memref_squeeze %dma_wait3A_137 : memref<1x2048xi32, #tpu.memory_space<hbm>> -> memref<2048xi32, #tpu.memory_space<hbm>>
      %dma_wait3A_139 = arith.constant 0 : i32
      %dma_wait3A_140 = tpu.memref_slice %arg3[%run_scoped3A, %dma_wait3A_139] : memref<8x2048xi32, #tpu.memory_space<hbm>> -> memref<1x2048xi32, #tpu.memory_space<hbm>>
      %dma_wait3A_141 = tpu.memref_squeeze %dma_wait3A_140 : memref<1x2048xi32, #tpu.memory_space<hbm>> -> memref<2048xi32, #tpu.memory_space<hbm>>
      tpu.wait_dma2 semaphore(%run_scoped3A_129 : memref<!tpu.dma_semaphore, #tpu.memory_space<semaphore_mem>>) src(%dma_wait3A_141 : memref<2048xi32, #tpu.memory_space<hbm>>) dst(%arg5 : memref<2048xi32, #tpu.memory_space<vmem>>)
      tpu.yield
    }) : () -> ()
    %run_scoped3A_3 = arith.constant 1 : i32
    "tpu.region"() ({
      %run_scoped3A_129 = tpu.sem_alloc : memref<!tpu.dma_semaphore, #tpu.memory_space<semaphore_mem>>
      %dma_start3A_130 = arith.constant 0 : i32
      %dma_start3A_131 = tpu.memref_slice %arg3[%run_scoped3A_3, %dma_start3A_130] : memref<8x2048xi32, #tpu.memory_space<hbm>> -> memref<1x2048xi32, #tpu.memory_space<hbm>>
      %dma_start3A_132 = tpu.memref_squeeze %dma_start3A_131 : memref<1x2048xi32, #tpu.memory_space<hbm>> -> memref<2048xi32, #tpu.memory_space<hbm>>
      %dma_start3A_133 = arith.constant 0 : i32
      %dma_start3A_134 = tpu.memref_slice %arg3[%run_scoped3A_3, %dma_start3A_133] : memref<8x2048xi32, #tpu.memory_space<hbm>> -> memref<1x2048xi32, #tpu.memory_space<hbm>>
      %dma_start3A_135 = tpu.memref_squeeze %dma_start3A_134 : memref<1x2048xi32, #tpu.memory_space<hbm>> -> memref<2048xi32, #tpu.memory_space<hbm>>
      tpu.enqueue_dma source(%dma_start3A_135 : memref<2048xi32, #tpu.memory_space<hbm>>) target(%arg6 : memref<2048xi32, #tpu.memory_space<vmem>>) target_semaphore(%run_scoped3A_129 : memref<!tpu.dma_semaphore, #tpu.memory_space<semaphore_mem>>)
      %dma_wait3A_136 = arith.constant 0 : i32
      %dma_wait3A_137 = tpu.memref_slice %arg3[%run_scoped3A_3, %dma_wait3A_136] : memref<8x2048xi32, #tpu.memory_space<hbm>> -> memref<1x2048xi32, #tpu.memory_space<hbm>>
      %dma_wait3A_138 = tpu.memref_squeeze %dma_wait3A_137 : memref<1x2048xi32, #tpu.memory_space<hbm>> -> memref<2048xi32, #tpu.memory_space<hbm>>
      %dma_wait3A_139 = arith.constant 0 : i32
      %dma_wait3A_140 = tpu.memref_slice %arg3[%run_scoped3A_3, %dma_wait3A_139] : memref<8x2048xi32, #tpu.memory_space<hbm>> -> memref<1x2048xi32, #tpu.memory_space<hbm>>
      %dma_wait3A_141 = tpu.memref_squeeze %dma_wait3A_140 : memref<1x2048xi32, #tpu.memory_space<hbm>> -> memref<2048xi32, #tpu.memory_space<hbm>>
      tpu.wait_dma2 semaphore(%run_scoped3A_129 : memref<!tpu.dma_semaphore, #tpu.memory_space<semaphore_mem>>) src(%dma_wait3A_141 : memref<2048xi32, #tpu.memory_space<hbm>>) dst(%arg6 : memref<2048xi32, #tpu.memory_space<vmem>>)
      tpu.yield
    }) : () -> ()
    %add3A_4 = arith.constant 0 : i32
    %add3A_5 = arith.addi %mul3A_2, %add3A_4 : i32
    %get3A = arith.index_cast %add3A_5 : i32 to index
    %get3A_6 = tpu.vector_load %arg5[%get3A] {strides = array<i32>} : memref<2048xi32, #tpu.memory_space<vmem>>, vector<16xi32>,
    %dma_start3A = arith.constant 0 : i32
    %dma_start3A_7 = arith.constant 0 : i32
    %dma_start3A_8 = tpu.memref_slice %arg7[%dma_start3A, %dma_start3A_7] : memref<64x1024xf32, #tpu.memory_space<vmem>> -> memref<16x1024xf32, #tpu.memory_space<vmem>>
    %dma_start3A_9 = arith.constant 0 : i32
    %dma_start3A_10 = arith.constant 0 : i32
    %dma_start3A_11 = tpu.memref_slice %arg4[%dma_start3A_9, %dma_start3A_10] : memref<12288x1024xf32, #tpu.memory_space<hbm>> -> memref<12288x1024xf32, #tpu.memory_space<hbm>>
    tpu.enqueue_indirect_dma source(%dma_start3A_8 : memref<16x1024xf32, #tpu.memory_space<vmem>>) target(%dma_start3A_11 : memref<12288x1024xf32, #tpu.memory_space<hbm>>) offsets(%get3A_6 : vector<16xi32>) semaphore(%arg8 : memref<!tpu.dma_semaphore, #tpu.memory_space<semaphore_mem>>)
    %add3A_12 = arith.constant 16 : i32
    %add3A_13 = arith.addi %mul3A_2, %add3A_12 : i32
    %get3A_14 = arith.index_cast %add3A_13 : i32 to index
    %get3A_15 = tpu.vector_load %arg5[%get3A_14] {strides = array<i32>} : memref<2048xi32, #tpu.memory_space<vmem>>, vector<16xi32>,
    %dma_start3A_16 = arith.constant 16 : i32
    %dma_start3A_17 = arith.constant 0 : i32
    %dma_start3A_18 = tpu.memref_slice %arg7[%dma_start3A_16, %dma_start3A_17] : memref<64x1024xf32, #tpu.memory_space<vmem>> -> memref<16x1024xf32, #tpu.memory_space<vmem>>
    %dma_start3A_19 = arith.constant 0 : i32
    %dma_start3A_20 = arith.constant 0 : i32
    %dma_start3A_21 = tpu.memref_slice %arg4[%dma_start3A_19, %dma_start3A_20] : memref<12288x1024xf32, #tpu.memory_space<hbm>> -> memref<12288x1024xf32, #tpu.memory_space<hbm>>
    tpu.enqueue_indirect_dma source(%dma_start3A_18 : memref<16x1024xf32, #tpu.memory_space<vmem>>) target(%dma_start3A_21 : memref<12288x1024xf32, #tpu.memory_space<hbm>>) offsets(%get3A_15 : vector<16xi32>) semaphore(%arg8 : memref<!tpu.dma_semaphore, #tpu.memory_space<semaphore_mem>>)
    %add3A_22 = arith.constant 32 : i32
    %add3A_23 = arith.addi %mul3A_2, %add3A_22 : i32
    %get3A_24 = arith.index_cast %add3A_23 : i32 to index
    %get3A_25 = tpu.vector_load %arg5[%get3A_24] {strides = array<i32>} : memref<2048xi32, #tpu.memory_space<vmem>>, vector<16xi32>,
    %dma_start3A_26 = arith.constant 32 : i32
    %dma_start3A_27 = arith.constant 0 : i32
    %dma_start3A_28 = tpu.memref_slice %arg7[%dma_start3A_26, %dma_start3A_27] : memref<64x1024xf32, #tpu.memory_space<vmem>> -> memref<16x1024xf32, #tpu.memory_space<vmem>>
    %dma_start3A_29 = arith.constant 0 : i32
    %dma_start3A_30 = arith.constant 0 : i32
    %dma_start3A_31 = tpu.memref_slice %arg4[%dma_start3A_29, %dma_start3A_30] : memref<12288x1024xf32, #tpu.memory_space<hbm>> -> memref<12288x1024xf32, #tpu.memory_space<hbm>>
    tpu.enqueue_indirect_dma source(%dma_start3A_28 : memref<16x1024xf32, #tpu.memory_space<vmem>>) target(%dma_start3A_31 : memref<12288x1024xf32, #tpu.memory_space<hbm>>) offsets(%get3A_25 : vector<16xi32>) semaphore(%arg8 : memref<!tpu.dma_semaphore, #tpu.memory_space<semaphore_mem>>)
    %add3A_32 = arith.constant 48 : i32
    %add3A_33 = arith.addi %mul3A_2, %add3A_32 : i32
    %get3A_34 = arith.index_cast %add3A_33 : i32 to index
    %get3A_35 = tpu.vector_load %arg5[%get3A_34] {strides = array<i32>} : memref<2048xi32, #tpu.memory_space<vmem>>, vector<16xi32>,
    %dma_start3A_36 = arith.constant 48 : i32
    %dma_start3A_37 = arith.constant 0 : i32
    %dma_start3A_38 = tpu.memref_slice %arg7[%dma_start3A_36, %dma_start3A_37] : memref<64x1024xf32, #tpu.memory_space<vmem>> -> memref<16x1024xf32, #tpu.memory_space<vmem>>
    %dma_start3A_39 = arith.constant 0 : i32
    %dma_start3A_40 = arith.constant 0 : i32
    %dma_start3A_41 = tpu.memref_slice %arg4[%dma_start3A_39, %dma_start3A_40] : memref<12288x1024xf32, #tpu.memory_space<hbm>> -> memref<12288x1024xf32, #tpu.memory_space<hbm>>
    tpu.enqueue_indirect_dma source(%dma_start3A_38 : memref<16x1024xf32, #tpu.memory_space<vmem>>) target(%dma_start3A_41 : memref<12288x1024xf32, #tpu.memory_space<hbm>>) offsets(%get3A_35 : vector<16xi32>) semaphore(%arg8 : memref<!tpu.dma_semaphore, #tpu.memory_space<semaphore_mem>>)
    %add3A_42 = arith.constant 0 : i32
    %add3A_43 = arith.addi %mul3A_2, %add3A_42 : i32
    %get3A_44 = arith.index_cast %add3A_43 : i32 to index
    %get3A_45 = tpu.vector_load %arg6[%get3A_44] {strides = array<i32>} : memref<2048xi32, #tpu.memory_space<vmem>>, vector<16xi32>,
    %dma_start3A_46 = arith.constant 0 : i32
    %dma_start3A_47 = arith.constant 0 : i32
    %dma_start3A_48 = tpu.memref_slice %arg7[%dma_start3A_46, %dma_start3A_47] : memref<64x1024xf32, #tpu.memory_space<vmem>> -> memref<16x1024xf32, #tpu.memory_space<vmem>>
    %dma_start3A_49 = arith.constant 0 : i32
    %dma_start3A_50 = arith.constant 0 : i32
    %dma_start3A_51 = tpu.memref_slice %arg4[%dma_start3A_49, %dma_start3A_50] : memref<12288x1024xf32, #tpu.memory_space<hbm>> -> memref<12288x1024xf32, #tpu.memory_space<hbm>>
    tpu.enqueue_indirect_dma source(%dma_start3A_48 : memref<16x1024xf32, #tpu.memory_space<vmem>>) target(%dma_start3A_51 : memref<12288x1024xf32, #tpu.memory_space<hbm>>) offsets(%get3A_45 : vector<16xi32>) semaphore(%arg8 : memref<!tpu.dma_semaphore, #tpu.memory_space<semaphore_mem>>)
    %add3A_52 = arith.constant 16 : i32
    %add3A_53 = arith.addi %mul3A_2, %add3A_52 : i32
    %get3A_54 = arith.index_cast %add3A_53 : i32 to index
    %get3A_55 = tpu.vector_load %arg6[%get3A_54] {strides = array<i32>} : memref<2048xi32, #tpu.memory_space<vmem>>, vector<16xi32>,
    %dma_start3A_56 = arith.constant 16 : i32
    %dma_start3A_57 = arith.constant 0 : i32
    %dma_start3A_58 = tpu.memref_slice %arg7[%dma_start3A_56, %dma_start3A_57] : memref<64x1024xf32, #tpu.memory_space<vmem>> -> memref<16x1024xf32, #tpu.memory_space<vmem>>
    %dma_start3A_59 = arith.constant 0 : i32
    %dma_start3A_60 = arith.constant 0 : i32
    %dma_start3A_61 = tpu.memref_slice %arg4[%dma_start3A_59, %dma_start3A_60] : memref<12288x1024xf32, #tpu.memory_space<hbm>> -> memref<12288x1024xf32, #tpu.memory_space<hbm>>
    tpu.enqueue_indirect_dma source(%dma_start3A_58 : memref<16x1024xf32, #tpu.memory_space<vmem>>) target(%dma_start3A_61 : memref<12288x1024xf32, #tpu.memory_space<hbm>>) offsets(%get3A_55 : vector<16xi32>) semaphore(%arg8 : memref<!tpu.dma_semaphore, #tpu.memory_space<semaphore_mem>>)
    %add3A_62 = arith.constant 32 : i32
    %add3A_63 = arith.addi %mul3A_2, %add3A_62 : i32
    %get3A_64 = arith.index_cast %add3A_63 : i32 to index
    %get3A_65 = tpu.vector_load %arg6[%get3A_64] {strides = array<i32>} : memref<2048xi32, #tpu.memory_space<vmem>>, vector<16xi32>,
    %dma_start3A_66 = arith.constant 32 : i32
    %dma_start3A_67 = arith.constant 0 : i32
    %dma_start3A_68 = tpu.memref_slice %arg7[%dma_start3A_66, %dma_start3A_67] : memref<64x1024xf32, #tpu.memory_space<vmem>> -> memref<16x1024xf32, #tpu.memory_space<vmem>>
    %dma_start3A_69 = arith.constant 0 : i32
    %dma_start3A_70 = arith.constant 0 : i32
    %dma_start3A_71 = tpu.memref_slice %arg4[%dma_start3A_69, %dma_start3A_70] : memref<12288x1024xf32, #tpu.memory_space<hbm>> -> memref<12288x1024xf32, #tpu.memory_space<hbm>>
    tpu.enqueue_indirect_dma source(%dma_start3A_68 : memref<16x1024xf32, #tpu.memory_space<vmem>>) target(%dma_start3A_71 : memref<12288x1024xf32, #tpu.memory_space<hbm>>) offsets(%get3A_65 : vector<16xi32>) semaphore(%arg8 : memref<!tpu.dma_semaphore, #tpu.memory_space<semaphore_mem>>)
    %add3A_72 = arith.constant 48 : i32
    %add3A_73 = arith.addi %mul3A_2, %add3A_72 : i32
    %get3A_74 = arith.index_cast %add3A_73 : i32 to index
    %get3A_75 = tpu.vector_load %arg6[%get3A_74] {strides = array<i32>} : memref<2048xi32, #tpu.memory_space<vmem>>, vector<16xi32>,
    %dma_start3A_76 = arith.constant 48 : i32
    %dma_start3A_77 = arith.constant 0 : i32
    %dma_start3A_78 = tpu.memref_slice %arg7[%dma_start3A_76, %dma_start3A_77] : memref<64x1024xf32, #tpu.memory_space<vmem>> -> memref<16x1024xf32, #tpu.memory_space<vmem>>
    %dma_start3A_79 = arith.constant 0 : i32
    %dma_start3A_80 = arith.constant 0 : i32
    %dma_start3A_81 = tpu.memref_slice %arg4[%dma_start3A_79, %dma_start3A_80] : memref<12288x1024xf32, #tpu.memory_space<hbm>> -> memref<12288x1024xf32, #tpu.memory_space<hbm>>
    tpu.enqueue_indirect_dma source(%dma_start3A_78 : memref<16x1024xf32, #tpu.memory_space<vmem>>) target(%dma_start3A_81 : memref<12288x1024xf32, #tpu.memory_space<hbm>>) offsets(%get3A_75 : vector<16xi32>) semaphore(%arg8 : memref<!tpu.dma_semaphore, #tpu.memory_space<semaphore_mem>>)
    %dma_wait3A = arith.constant 0 : i32
    %dma_wait3A_82 = arith.constant 0 : i32
    %dma_wait3A_83 = tpu.memref_slice %arg7[%dma_wait3A, %dma_wait3A_82] : memref<64x1024xf32, #tpu.memory_space<vmem>> -> memref<16x1024xf32, #tpu.memory_space<vmem>>
    %dma_wait3A_84 = arith.constant 0 : i32
    %dma_wait3A_85 = arith.constant 0 : i32
    %dma_wait3A_86 = tpu.memref_slice %arg4[%dma_wait3A_84, %dma_wait3A_85] : memref<12288x1024xf32, #tpu.memory_space<hbm>> -> memref<12288x1024xf32, #tpu.memory_space<hbm>>
    tpu.wait_indirect_dma semaphore(%arg8 : memref<!tpu.dma_semaphore, #tpu.memory_space<semaphore_mem>>) src(%dma_wait3A_83 : memref<16x1024xf32, #tpu.memory_space<vmem>>) dst(%dma_wait3A_86 : memref<12288x1024xf32, #tpu.memory_space<hbm>>)
    %dma_wait3A_87 = arith.constant 16 : i32
    %dma_wait3A_88 = arith.constant 0 : i32
    %dma_wait3A_89 = tpu.memref_slice %arg7[%dma_wait3A_87, %dma_wait3A_88] : memref<64x1024xf32, #tpu.memory_space<vmem>> -> memref<16x1024xf32, #tpu.memory_space<vmem>>
    %dma_wait3A_90 = arith.constant 0 : i32
    %dma_wait3A_91 = arith.constant 0 : i32
    %dma_wait3A_92 = tpu.memref_slice %arg4[%dma_wait3A_90, %dma_wait3A_91] : memref<12288x1024xf32, #tpu.memory_space<hbm>> -> memref<12288x1024xf32, #tpu.memory_space<hbm>>
    tpu.wait_indirect_dma semaphore(%arg8 : memref<!tpu.dma_semaphore, #tpu.memory_space<semaphore_mem>>) src(%dma_wait3A_89 : memref<16x1024xf32, #tpu.memory_space<vmem>>) dst(%dma_wait3A_92 : memref<12288x1024xf32, #tpu.memory_space<hbm>>)
    %dma_wait3A_93 = arith.constant 32 : i32
    %dma_wait3A_94 = arith.constant 0 : i32
    %dma_wait3A_95 = tpu.memref_slice %arg7[%dma_wait3A_93, %dma_wait3A_94] : memref<64x1024xf32, #tpu.memory_space<vmem>> -> memref<16x1024xf32, #tpu.memory_space<vmem>>
    %dma_wait3A_96 = arith.constant 0 : i32
    %dma_wait3A_97 = arith.constant 0 : i32
    %dma_wait3A_98 = tpu.memref_slice %arg4[%dma_wait3A_96, %dma_wait3A_97] : memref<12288x1024xf32, #tpu.memory_space<hbm>> -> memref<12288x1024xf32, #tpu.memory_space<hbm>>
    tpu.wait_indirect_dma semaphore(%arg8 : memref<!tpu.dma_semaphore, #tpu.memory_space<semaphore_mem>>) src(%dma_wait3A_95 : memref<16x1024xf32, #tpu.memory_space<vmem>>) dst(%dma_wait3A_98 : memref<12288x1024xf32, #tpu.memory_space<hbm>>)
    %dma_wait3A_99 = arith.constant 48 : i32
    %dma_wait3A_100 = arith.constant 0 : i32
    %dma_wait3A_101 = tpu.memref_slice %arg7[%dma_wait3A_99, %dma_wait3A_100] : memref<64x1024xf32, #tpu.memory_space<vmem>> -> memref<16x1024xf32, #tpu.memory_space<vmem>>
    %dma_wait3A_102 = arith.constant 0 : i32
    %dma_wait3A_103 = arith.constant 0 : i32
    %dma_wait3A_104 = tpu.memref_slice %arg4[%dma_wait3A_102, %dma_wait3A_103] : memref<12288x1024xf32, #tpu.memory_space<hbm>> -> memref<12288x1024xf32, #tpu.memory_space<hbm>>
    tpu.wait_indirect_dma semaphore(%arg8 : memref<!tpu.dma_semaphore, #tpu.memory_space<semaphore_mem>>) src(%dma_wait3A_101 : memref<16x1024xf32, #tpu.memory_space<vmem>>) dst(%dma_wait3A_104 : memref<12288x1024xf32, #tpu.memory_space<hbm>>)
    %dma_wait3A_105 = arith.constant 0 : i32
    %dma_wait3A_106 = arith.constant 0 : i32
    %dma_wait3A_107 = tpu.memref_slice %arg7[%dma_wait3A_105, %dma_wait3A_106] : memref<64x1024xf32, #tpu.memory_space<vmem>> -> memref<16x1024xf32, #tpu.memory_space<vmem>>
    %dma_wait3A_108 = arith.constant 0 : i32
    %dma_wait3A_109 = arith.constant 0 : i32
    %dma_wait3A_110 = tpu.memref_slice %arg4[%dma_wait3A_108, %dma_wait3A_109] : memref<12288x1024xf32, #tpu.memory_space<hbm>> -> memref<12288x1024xf32, #tpu.memory_space<hbm>>
    tpu.wait_indirect_dma semaphore(%arg8 : memref<!tpu.dma_semaphore, #tpu.memory_space<semaphore_mem>>) src(%dma_wait3A_107 : memref<16x1024xf32, #tpu.memory_space<vmem>>) dst(%dma_wait3A_110 : memref<12288x1024xf32, #tpu.memory_space<hbm>>)
    %dma_wait3A_111 = arith.constant 16 : i32
    %dma_wait3A_112 = arith.constant 0 : i32
    %dma_wait3A_113 = tpu.memref_slice %arg7[%dma_wait3A_111, %dma_wait3A_112] : memref<64x1024xf32, #tpu.memory_space<vmem>> -> memref<16x1024xf32, #tpu.memory_space<vmem>>
    %dma_wait3A_114 = arith.constant 0 : i32
    %dma_wait3A_115 = arith.constant 0 : i32
    %dma_wait3A_116 = tpu.memref_slice %arg4[%dma_wait3A_114, %dma_wait3A_115] : memref<12288x1024xf32, #tpu.memory_space<hbm>> -> memref<12288x1024xf32, #tpu.memory_space<hbm>>
    tpu.wait_indirect_dma semaphore(%arg8 : memref<!tpu.dma_semaphore, #tpu.memory_space<semaphore_mem>>) src(%dma_wait3A_113 : memref<16x1024xf32, #tpu.memory_space<vmem>>) dst(%dma_wait3A_116 : memref<12288x1024xf32, #tpu.memory_space<hbm>>)
    %dma_wait3A_117 = arith.constant 32 : i32
    %dma_wait3A_118 = arith.constant 0 : i32
    %dma_wait3A_119 = tpu.memref_slice %arg7[%dma_wait3A_117, %dma_wait3A_118] : memref<64x1024xf32, #tpu.memory_space<vmem>> -> memref<16x1024xf32, #tpu.memory_space<vmem>>
    %dma_wait3A_120 = arith.constant 0 : i32
    %dma_wait3A_121 = arith.constant 0 : i32
    %dma_wait3A_122 = tpu.memref_slice %arg4[%dma_wait3A_120, %dma_wait3A_121] : memref<12288x1024xf32, #tpu.memory_space<hbm>> -> memref<12288x1024xf32, #tpu.memory_space<hbm>>
    tpu.wait_indirect_dma semaphore(%arg8 : memref<!tpu.dma_semaphore, #tpu.memory_space<semaphore_mem>>) src(%dma_wait3A_119 : memref<16x1024xf32, #tpu.memory_space<vmem>>) dst(%dma_wait3A_122 : memref<12288x1024xf32, #tpu.memory_space<hbm>>)
    %dma_wait3A_123 = arith.constant 48 : i32
    %dma_wait3A_124 = arith.constant 0 : i32
    %dma_wait3A_125 = tpu.memref_slice %arg7[%dma_wait3A_123, %dma_wait3A_124] : memref<64x1024xf32, #tpu.memory_space<vmem>> -> memref<16x1024xf32, #tpu.memory_space<vmem>>
    %dma_wait3A_126 = arith.constant 0 : i32
    %dma_wait3A_127 = arith.constant 0 : i32
    %dma_wait3A_128 = tpu.memref_slice %arg4[%dma_wait3A_126, %dma_wait3A_127] : memref<12288x1024xf32, #tpu.memory_space<hbm>> -> memref<12288x1024xf32, #tpu.memory_space<hbm>>
    tpu.wait_indirect_dma semaphore(%arg8 : memref<!tpu.dma_semaphore, #tpu.memory_space<semaphore_mem>>) src(%dma_wait3A_125 : memref<16x1024xf32, #tpu.memory_space<vmem>>) dst(%dma_wait3A_128 : memref<12288x1024xf32, #tpu.memory_space<hbm>>)
    return
  }
}

#map = affine_map<(d0, d1) -> (0, 0)>
module attributes {stable_mosaic.version = 14 : i64} {
  func.func @k(%arg0: i32, %arg1: i32, %arg2: memref<12288x1024xf32, #tpu.memory_space<hbm>>, %arg3: memref<8x2048xi32, #tpu.memory_space<hbm>>, %arg4: memref<2048x1024xf32, #tpu.memory_space<hbm>>, %arg5: memref<2048x1024xf32, #tpu.memory_space<hbm>>, %arg6: memref<2048xi32, #tpu.memory_space<vmem>>, %arg7: memref<64x1024xf32, #tpu.memory_space<vmem>>, %arg8: memref<!tpu.dma_semaphore, #tpu.memory_space<semaphore_mem>>) attributes {dimension_semantics = [#tpu.dimension_semantics<core_parallel>, #tpu.dimension_semantics<subcore_parallel>], iteration_bounds = array<i64: 2, 16>, scalar_prefetch = 0 : i64, scratch_operands = 3 : i64, tpu.core_type = #tpu.core_type<sc_vector_subcore>, window_params = [{transform_indices = #map}, {transform_indices = #map}, {transform_indices = #map}, {transform_indices = #map}]} {
    %mul3A = arith.constant 2 : i32
    %mul3A_0 = arith.muli %arg1, %mul3A : i32
    %add3A = arith.addi %mul3A_0, %arg0 : i32
    %mul3A_1 = arith.constant 64 : i32
    %mul3A_2 = arith.muli %add3A, %mul3A_1 : i32
    %run_scoped3A = arith.constant 0 : i32
    "tpu.region"() ({
      %run_scoped3A_18 = tpu.sem_alloc : memref<!tpu.dma_semaphore, #tpu.memory_space<semaphore_mem>>
      %dma_start3A_19 = arith.constant 0 : i32
      %dma_start3A_20 = tpu.memref_slice %arg3[%run_scoped3A, %dma_start3A_19] : memref<8x2048xi32, #tpu.memory_space<hbm>> -> memref<1x2048xi32, #tpu.memory_space<hbm>>
      %dma_start3A_21 = tpu.memref_squeeze %dma_start3A_20 : memref<1x2048xi32, #tpu.memory_space<hbm>> -> memref<2048xi32, #tpu.memory_space<hbm>>
      %dma_start3A_22 = arith.constant 0 : i32
      %dma_start3A_23 = tpu.memref_slice %arg3[%run_scoped3A, %dma_start3A_22] : memref<8x2048xi32, #tpu.memory_space<hbm>> -> memref<1x2048xi32, #tpu.memory_space<hbm>>
      %dma_start3A_24 = tpu.memref_squeeze %dma_start3A_23 : memref<1x2048xi32, #tpu.memory_space<hbm>> -> memref<2048xi32, #tpu.memory_space<hbm>>
      tpu.enqueue_dma source(%dma_start3A_24 : memref<2048xi32, #tpu.memory_space<hbm>>) target(%arg6 : memref<2048xi32, #tpu.memory_space<vmem>>) target_semaphore(%run_scoped3A_18 : memref<!tpu.dma_semaphore, #tpu.memory_space<semaphore_mem>>)
      %dma_wait3A_25 = arith.constant 0 : i32
      %dma_wait3A_26 = tpu.memref_slice %arg3[%run_scoped3A, %dma_wait3A_25] : memref<8x2048xi32, #tpu.memory_space<hbm>> -> memref<1x2048xi32, #tpu.memory_space<hbm>>
      %dma_wait3A_27 = tpu.memref_squeeze %dma_wait3A_26 : memref<1x2048xi32, #tpu.memory_space<hbm>> -> memref<2048xi32, #tpu.memory_space<hbm>>
      %dma_wait3A_28 = arith.constant 0 : i32
      %dma_wait3A_29 = tpu.memref_slice %arg3[%run_scoped3A, %dma_wait3A_28] : memref<8x2048xi32, #tpu.memory_space<hbm>> -> memref<1x2048xi32, #tpu.memory_space<hbm>>
      %dma_wait3A_30 = tpu.memref_squeeze %dma_wait3A_29 : memref<1x2048xi32, #tpu.memory_space<hbm>> -> memref<2048xi32, #tpu.memory_space<hbm>>
      tpu.wait_dma2 semaphore(%run_scoped3A_18 : memref<!tpu.dma_semaphore, #tpu.memory_space<semaphore_mem>>) src(%dma_wait3A_30 : memref<2048xi32, #tpu.memory_space<hbm>>) dst(%arg6 : memref<2048xi32, #tpu.memory_space<vmem>>)
      tpu.yield
    }) : () -> ()
    %dma_start3A = tpu.memref_slice %arg6[%mul3A_2] : memref<2048xi32, #tpu.memory_space<vmem>> -> memref<64xi32, #tpu.memory_space<vmem>>
    %dma_start3A_3 = arith.constant 0 : i32
    %dma_start3A_4 = arith.constant 0 : i32
    %dma_start3A_5 = tpu.memref_slice %arg2[%dma_start3A_3, %dma_start3A_4] : memref<12288x1024xf32, #tpu.memory_space<hbm>> -> memref<12288x1024xf32, #tpu.memory_space<hbm>>
    tpu.enqueue_indirect_dma source(%dma_start3A_5 : memref<12288x1024xf32, #tpu.memory_space<hbm>>) target(%arg7 : memref<64x1024xf32, #tpu.memory_space<vmem>>) offsets(%dma_start3A : memref<64xi32, #tpu.memory_space<vmem>>) semaphore(%arg8 : memref<!tpu.dma_semaphore, #tpu.memory_space<semaphore_mem>>)
    %dma_wait3A = tpu.memref_slice %arg6[%mul3A_2] : memref<2048xi32, #tpu.memory_space<vmem>> -> memref<64xi32, #tpu.memory_space<vmem>>
    %dma_wait3A_6 = arith.constant 0 : i32
    %dma_wait3A_7 = arith.constant 0 : i32
    %dma_wait3A_8 = tpu.memref_slice %arg2[%dma_wait3A_6, %dma_wait3A_7] : memref<12288x1024xf32, #tpu.memory_space<hbm>> -> memref<12288x1024xf32, #tpu.memory_space<hbm>>
    tpu.wait_indirect_dma semaphore(%arg8 : memref<!tpu.dma_semaphore, #tpu.memory_space<semaphore_mem>>) src(%dma_wait3A_8 : memref<12288x1024xf32, #tpu.memory_space<hbm>>) dst(%arg7 : memref<64x1024xf32, #tpu.memory_space<vmem>>)
    "tpu.region"() ({
      %run_scoped3A_18 = tpu.sem_alloc : memref<!tpu.dma_semaphore, #tpu.memory_space<semaphore_mem>>
      %dma_start3A_19 = arith.constant 0 : i32
      %dma_start3A_20 = tpu.memref_slice %arg4[%mul3A_2, %dma_start3A_19] : memref<2048x1024xf32, #tpu.memory_space<hbm>> -> memref<64x1024xf32, #tpu.memory_space<hbm>>
      %dma_start3A_21 = arith.constant 0 : i32
      %dma_start3A_22 = tpu.memref_slice %arg4[%mul3A_2, %dma_start3A_21] : memref<2048x1024xf32, #tpu.memory_space<hbm>> -> memref<64x1024xf32, #tpu.memory_space<hbm>>
      tpu.enqueue_dma source(%arg7 : memref<64x1024xf32, #tpu.memory_space<vmem>>) target(%dma_start3A_22 : memref<64x1024xf32, #tpu.memory_space<hbm>>) target_semaphore(%run_scoped3A_18 : memref<!tpu.dma_semaphore, #tpu.memory_space<semaphore_mem>>)
      %dma_wait3A_23 = arith.constant 0 : i32
      %dma_wait3A_24 = tpu.memref_slice %arg4[%mul3A_2, %dma_wait3A_23] : memref<2048x1024xf32, #tpu.memory_space<hbm>> -> memref<64x1024xf32, #tpu.memory_space<hbm>>
      %dma_wait3A_25 = arith.constant 0 : i32
      %dma_wait3A_26 = tpu.memref_slice %arg4[%mul3A_2, %dma_wait3A_25] : memref<2048x1024xf32, #tpu.memory_space<hbm>> -> memref<64x1024xf32, #tpu.memory_space<hbm>>
      tpu.wait_dma2 semaphore(%run_scoped3A_18 : memref<!tpu.dma_semaphore, #tpu.memory_space<semaphore_mem>>) src(%arg7 : memref<64x1024xf32, #tpu.memory_space<vmem>>) dst(%dma_wait3A_26 : memref<64x1024xf32, #tpu.memory_space<hbm>>)
      tpu.yield
    }) : () -> ()
    %run_scoped3A_9 = arith.constant 1 : i32
    "tpu.region"() ({
      %run_scoped3A_18 = tpu.sem_alloc : memref<!tpu.dma_semaphore, #tpu.memory_space<semaphore_mem>>
      %dma_start3A_19 = arith.constant 0 : i32
      %dma_start3A_20 = tpu.memref_slice %arg3[%run_scoped3A_9, %dma_start3A_19] : memref<8x2048xi32, #tpu.memory_space<hbm>> -> memref<1x2048xi32, #tpu.memory_space<hbm>>
      %dma_start3A_21 = tpu.memref_squeeze %dma_start3A_20 : memref<1x2048xi32, #tpu.memory_space<hbm>> -> memref<2048xi32, #tpu.memory_space<hbm>>
      %dma_start3A_22 = arith.constant 0 : i32
      %dma_start3A_23 = tpu.memref_slice %arg3[%run_scoped3A_9, %dma_start3A_22] : memref<8x2048xi32, #tpu.memory_space<hbm>> -> memref<1x2048xi32, #tpu.memory_space<hbm>>
      %dma_start3A_24 = tpu.memref_squeeze %dma_start3A_23 : memref<1x2048xi32, #tpu.memory_space<hbm>> -> memref<2048xi32, #tpu.memory_space<hbm>>
      tpu.enqueue_dma source(%dma_start3A_24 : memref<2048xi32, #tpu.memory_space<hbm>>) target(%arg6 : memref<2048xi32, #tpu.memory_space<vmem>>) target_semaphore(%run_scoped3A_18 : memref<!tpu.dma_semaphore, #tpu.memory_space<semaphore_mem>>)
      %dma_wait3A_25 = arith.constant 0 : i32
      %dma_wait3A_26 = tpu.memref_slice %arg3[%run_scoped3A_9, %dma_wait3A_25] : memref<8x2048xi32, #tpu.memory_space<hbm>> -> memref<1x2048xi32, #tpu.memory_space<hbm>>
      %dma_wait3A_27 = tpu.memref_squeeze %dma_wait3A_26 : memref<1x2048xi32, #tpu.memory_space<hbm>> -> memref<2048xi32, #tpu.memory_space<hbm>>
      %dma_wait3A_28 = arith.constant 0 : i32
      %dma_wait3A_29 = tpu.memref_slice %arg3[%run_scoped3A_9, %dma_wait3A_28] : memref<8x2048xi32, #tpu.memory_space<hbm>> -> memref<1x2048xi32, #tpu.memory_space<hbm>>
      %dma_wait3A_30 = tpu.memref_squeeze %dma_wait3A_29 : memref<1x2048xi32, #tpu.memory_space<hbm>> -> memref<2048xi32, #tpu.memory_space<hbm>>
      tpu.wait_dma2 semaphore(%run_scoped3A_18 : memref<!tpu.dma_semaphore, #tpu.memory_space<semaphore_mem>>) src(%dma_wait3A_30 : memref<2048xi32, #tpu.memory_space<hbm>>) dst(%arg6 : memref<2048xi32, #tpu.memory_space<vmem>>)
      tpu.yield
    }) : () -> ()
    %dma_start3A_10 = tpu.memref_slice %arg6[%mul3A_2] : memref<2048xi32, #tpu.memory_space<vmem>> -> memref<64xi32, #tpu.memory_space<vmem>>
    %dma_start3A_11 = arith.constant 0 : i32
    %dma_start3A_12 = arith.constant 0 : i32
    %dma_start3A_13 = tpu.memref_slice %arg2[%dma_start3A_11, %dma_start3A_12] : memref<12288x1024xf32, #tpu.memory_space<hbm>> -> memref<12288x1024xf32, #tpu.memory_space<hbm>>
    tpu.enqueue_indirect_dma source(%dma_start3A_13 : memref<12288x1024xf32, #tpu.memory_space<hbm>>) target(%arg7 : memref<64x1024xf32, #tpu.memory_space<vmem>>) offsets(%dma_start3A_10 : memref<64xi32, #tpu.memory_space<vmem>>) semaphore(%arg8 : memref<!tpu.dma_semaphore, #tpu.memory_space<semaphore_mem>>)
    %dma_wait3A_14 = tpu.memref_slice %arg6[%mul3A_2] : memref<2048xi32, #tpu.memory_space<vmem>> -> memref<64xi32, #tpu.memory_space<vmem>>
    %dma_wait3A_15 = arith.constant 0 : i32
    %dma_wait3A_16 = arith.constant 0 : i32
    %dma_wait3A_17 = tpu.memref_slice %arg2[%dma_wait3A_15, %dma_wait3A_16] : memref<12288x1024xf32, #tpu.memory_space<hbm>> -> memref<12288x1024xf32, #tpu.memory_space<hbm>>
    tpu.wait_indirect_dma semaphore(%arg8 : memref<!tpu.dma_semaphore, #tpu.memory_space<semaphore_mem>>) src(%dma_wait3A_17 : memref<12288x1024xf32, #tpu.memory_space<hbm>>) dst(%arg7 : memref<64x1024xf32, #tpu.memory_space<vmem>>)
    "tpu.region"() ({
      %run_scoped3A_18 = tpu.sem_alloc : memref<!tpu.dma_semaphore, #tpu.memory_space<semaphore_mem>>
      %dma_start3A_19 = arith.constant 0 : i32
      %dma_start3A_20 = tpu.memref_slice %arg5[%mul3A_2, %dma_start3A_19] : memref<2048x1024xf32, #tpu.memory_space<hbm>> -> memref<64x1024xf32, #tpu.memory_space<hbm>>
      %dma_start3A_21 = arith.constant 0 : i32
      %dma_start3A_22 = tpu.memref_slice %arg5[%mul3A_2, %dma_start3A_21] : memref<2048x1024xf32, #tpu.memory_space<hbm>> -> memref<64x1024xf32, #tpu.memory_space<hbm>>
      tpu.enqueue_dma source(%arg7 : memref<64x1024xf32, #tpu.memory_space<vmem>>) target(%dma_start3A_22 : memref<64x1024xf32, #tpu.memory_space<hbm>>) target_semaphore(%run_scoped3A_18 : memref<!tpu.dma_semaphore, #tpu.memory_space<semaphore_mem>>)
      %dma_wait3A_23 = arith.constant 0 : i32
      %dma_wait3A_24 = tpu.memref_slice %arg5[%mul3A_2, %dma_wait3A_23] : memref<2048x1024xf32, #tpu.memory_space<hbm>> -> memref<64x1024xf32, #tpu.memory_space<hbm>>
      %dma_wait3A_25 = arith.constant 0 : i32
      %dma_wait3A_26 = tpu.memref_slice %arg5[%mul3A_2, %dma_wait3A_25] : memref<2048x1024xf32, #tpu.memory_space<hbm>> -> memref<64x1024xf32, #tpu.memory_space<hbm>>
      tpu.wait_dma2 semaphore(%run_scoped3A_18 : memref<!tpu.dma_semaphore, #tpu.memory_space<semaphore_mem>>) src(%arg7 : memref<64x1024xf32, #tpu.memory_space<vmem>>) dst(%dma_wait3A_26 : memref<64x1024xf32, #tpu.memory_space<hbm>>)
      tpu.yield
    }) : () -> ()
    return
  }
}

module attributes {stable_mosaic.version = 14 : i64} {
  func.func @_gmm_kernel(%arg0: i32, %arg1: memref<8x128xi32, #tpu.memory_space<smem>>, %arg2: memref<128x1024xf32, #tpu.memory_space<vmem>>, %arg3: memref<1x512x1024xf32, #tpu.memory_space<vmem>>, %arg4: memref<1x512x1024xf32, #tpu.memory_space<vmem>>, %arg5: memref<1x1024x512xf32, #tpu.memory_space<vmem>>, %arg6: memref<128x1024xf32, #tpu.memory_space<vmem>>) attributes {dimension_semantics = [#tpu.dimension_semantics<arbitrary>], iteration_bounds = array<i64: 96>, scalar_prefetch = 1 : i64, scratch_operands = 0 : i64, tpu.core_type = #tpu.core_type<tc>, window_params = [{transform_indices = @transform_0, window_bounds = array<i64: 128, 1024>}, {transform_indices = @transform_1, window_bounds = array<i64: 1, 512, 1024>}, {transform_indices = @transform_2, window_bounds = array<i64: 1, 512, 1024>}, {transform_indices = @transform_3, window_bounds = array<i64: 1, 1024, 512>}, {transform_indices = @transform_4, window_bounds = array<i64: 128, 1024>}]} {
    %get3A = arith.constant 0 : index
    %get3A_0 = arith.constant 0 : index
    %get3A_1 = vector.load %arg2[%get3A, %get3A_0] : memref<128x1024xf32, #tpu.memory_space<vmem>>, vector<128x1024xf32>
    %get3A_2 = arith.constant 0 : index
    %get3A_3 = arith.constant 0 : index
    %get3A_4 = arith.constant 0 : index
    %get3A_5 = vector.load %arg3[%get3A_2, %get3A_3, %get3A_4] : memref<1x512x1024xf32, #tpu.memory_space<vmem>>, vector<1x512x1024xf32>
    %get3A_6 = vector.shape_cast %get3A_5 : vector<1x512x1024xf32> to vector<512x1024xf32>
    %get3A_7 = arith.constant 0 : index
    %get3A_8 = arith.constant 0 : index
    %get3A_9 = arith.constant 0 : index
    %get3A_10 = vector.load %arg4[%get3A_7, %get3A_8, %get3A_9] : memref<1x512x1024xf32, #tpu.memory_space<vmem>>, vector<1x512x1024xf32>
    %get3A_11 = vector.shape_cast %get3A_10 : vector<1x512x1024xf32> to vector<512x1024xf32>
    %get3A_12 = arith.constant 0 : index
    %get3A_13 = arith.constant 0 : index
    %get3A_14 = arith.constant 0 : index
    %get3A_15 = vector.load %arg5[%get3A_12, %get3A_13, %get3A_14] : memref<1x1024x512xf32, #tpu.memory_space<vmem>>, vector<1x1024x512xf32>
    %get3A_16 = vector.shape_cast %get3A_15 : vector<1x1024x512xf32> to vector<1024x512xf32>
    %convert_element_type3A = arith.truncf %get3A_1 : vector<128x1024xf32> to vector<128x1024xbf16>
    %convert_element_type3A_17 = arith.truncf %get3A_6 : vector<512x1024xf32> to vector<512x1024xbf16>
    %dot_general3A = arith.constant dense<0.000000e+00> : vector<128x512xf32>
    %dot_general3A_18 = tpu.matmul %convert_element_type3A, %convert_element_type3A_17, %dot_general3A {dimension_numbers = #tpu.dot_dimension_numbers<[1], [1], [0], [0], [0, 0, 1, 0], [], []>, transpose_lhs_hint = false} : vector<128x1024xbf16>, vector<512x1024xbf16>, vector<128x512xf32> -> vector<128x512xf32>
    %convert_element_type3A_19 = arith.truncf %get3A_11 : vector<512x1024xf32> to vector<512x1024xbf16>
    %dot_general3A_20 = arith.constant dense<0.000000e+00> : vector<128x512xf32>
    %dot_general3A_21 = tpu.matmul %convert_element_type3A, %convert_element_type3A_19, %dot_general3A_20 {dimension_numbers = #tpu.dot_dimension_numbers<[1], [1], [0], [0], [0, 0, 1, 0], [], []>, transpose_lhs_hint = false} : vector<128x1024xbf16>, vector<512x1024xbf16>, vector<128x512xf32> -> vector<128x512xf32>
    %neg3A = arith.constant 0.000000e+00 : f32
    %neg3A_22 = vector.broadcast %neg3A : f32 to vector<128x512xf32>
    %neg3A_23 = arith.subf %neg3A_22, %dot_general3A_18 : vector<128x512xf32>
    %exp3A = math.exp %neg3A_23 : vector<128x512xf32>
    %add3A = arith.constant 1.000000e+00 : f32
    %add3A_24 = vector.broadcast %add3A : f32 to vector<128x512xf32>
    %add3A_25 = arith.addf %add3A_24, %exp3A : vector<128x512xf32>
    %div3A = arith.constant 1.000000e+00 : f32
    %div3A_26 = vector.broadcast %div3A : f32 to vector<128x512xf32>
    %div3A_27 = arith.divf %div3A_26, %add3A_25 : vector<128x512xf32>
    %mul3A = arith.mulf %dot_general3A_18, %div3A_27 : vector<128x512xf32>
    %mul3A_28 = arith.mulf %mul3A, %dot_general3A_21 : vector<128x512xf32>
    %convert_element_type3A_29 = arith.truncf %mul3A_28 : vector<128x512xf32> to vector<128x512xbf16>
    %convert_element_type3A_30 = arith.truncf %get3A_16 : vector<1024x512xf32> to vector<1024x512xbf16>
    %dot_general3A_31 = arith.constant dense<0.000000e+00> : vector<128x1024xf32>
    %dot_general3A_32 = tpu.matmul %convert_element_type3A_29, %convert_element_type3A_30, %dot_general3A_31 {dimension_numbers = #tpu.dot_dimension_numbers<[1], [1], [0], [0], [0, 0, 1, 0], [], []>, transpose_lhs_hint = false} : vector<128x512xbf16>, vector<1024x512xbf16>, vector<128x1024xf32> -> vector<128x1024xf32>
    %swap3A = arith.constant 0 : index
    %swap3A_33 = arith.constant 0 : index
    %swap3A_34 = vector.load %arg6[%swap3A, %swap3A_33] : memref<128x1024xf32, #tpu.memory_space<vmem>>, vector<128x1024xf32>
    tpu.vector_store %arg6[%swap3A, %swap3A_33], %dot_general3A_32 {strides = array<i32>} : memref<128x1024xf32, #tpu.memory_space<vmem>>, vector<128x1024xf32>,
    return
  }
  func.func @transform_0(%arg0: i32, %arg1: memref<8x128xi32, #tpu.memory_space<smem>>) -> (i32, i32) {
    %c0_i32 = arith.constant 0 : i32
    %c0_i32_0 = arith.constant 0 : i32
    return %arg0, %c0_i32 : i32, i32
  }
  func.func @transform_1(%arg0: i32, %arg1: memref<8x128xi32, #tpu.memory_space<smem>>) -> (i32, i32, i32) {
    %get3A = arith.constant 0 : index
    %get3A_0 = arith.index_cast %arg0 : i32 to index
    %get3A_1 = memref.load %arg1[%get3A, %get3A_0] : memref<8x128xi32, #tpu.memory_space<smem>>
    %c0_i32 = arith.constant 0 : i32
    %c0_i32_2 = arith.constant 0 : i32
    %c0_i32_3 = arith.constant 0 : i32
    return %get3A_1, %c0_i32, %c0_i32_2 : i32, i32, i32
  }
  func.func @transform_2(%arg0: i32, %arg1: memref<8x128xi32, #tpu.memory_space<smem>>) -> (i32, i32, i32) {
    %get3A = arith.constant 0 : index
    %get3A_0 = arith.index_cast %arg0 : i32 to index
    %get3A_1 = memref.load %arg1[%get3A, %get3A_0] : memref<8x128xi32, #tpu.memory_space<smem>>
    %c0_i32 = arith.constant 0 : i32
    %c0_i32_2 = arith.constant 0 : i32
    %c0_i32_3 = arith.constant 0 : i32
    return %get3A_1, %c0_i32, %c0_i32_2 : i32, i32, i32
  }
  func.func @transform_3(%arg0: i32, %arg1: memref<8x128xi32, #tpu.memory_space<smem>>) -> (i32, i32, i32) {
    %get3A = arith.constant 0 : index
    %get3A_0 = arith.index_cast %arg0 : i32 to index
    %get3A_1 = memref.load %arg1[%get3A, %get3A_0] : memref<8x128xi32, #tpu.memory_space<smem>>
    %c0_i32 = arith.constant 0 : i32
    %c0_i32_2 = arith.constant 0 : i32
    %c0_i32_3 = arith.constant 0 : i32
    return %get3A_1, %c0_i32, %c0_i32_2 : i32, i32, i32
  }
  func.func @transform_4(%arg0: i32, %arg1: memref<8x128xi32, #tpu.memory_space<smem>>) -> (i32, i32) {
    %c0_i32 = arith.constant 0 : i32
    %c0_i32_0 = arith.constant 0 : i32
    return %arg0, %c0_i32 : i32, i32
  }
}

module attributes {stable_mosaic.version = 14 : i64} {
  func.func @_combine_kernel(%arg0: i32, %arg1: memref<128x1024xf32, #tpu.memory_space<vmem>>, %arg2: memref<128x1024xf32, #tpu.memory_space<vmem>>, %arg3: memref<128x1024xf32, #tpu.memory_space<vmem>>, %arg4: memref<64x1024xf32, #tpu.memory_space<vmem>>, %arg5: memref<1x64xf32, #tpu.memory_space<vmem>>, %arg6: memref<512x1024xf32, #tpu.memory_space<vmem>>, %arg7: memref<512x1024xf32, #tpu.memory_space<vmem>>, %arg8: memref<1024x512xf32, #tpu.memory_space<vmem>>, %arg9: memref<128x1024xf32, #tpu.memory_space<vmem>>) attributes {dimension_semantics = [#tpu.dimension_semantics<arbitrary>], iteration_bounds = array<i64: 16>, scalar_prefetch = 0 : i64, scratch_operands = 0 : i64, tpu.core_type = #tpu.core_type<tc>, window_params = [{transform_indices = @transform_0, window_bounds = array<i64: 128, 1024>}, {transform_indices = @transform_1, window_bounds = array<i64: 128, 1024>}, {transform_indices = @transform_2, window_bounds = array<i64: 128, 1024>}, {pipeline_mode = #tpu.pipeline_mode<synchronous>, transform_indices = @transform_3, window_bounds = array<i64: 64, 1024>}, {pipeline_mode = #tpu.pipeline_mode<synchronous>, transform_indices = @transform_4, window_bounds = array<i64: 1, 64>}, {pipeline_mode = #tpu.pipeline_mode<synchronous>, transform_indices = @transform_5, window_bounds = array<i64: 512, 1024>}, {pipeline_mode = #tpu.pipeline_mode<synchronous>, transform_indices = @transform_6, window_bounds = array<i64: 512, 1024>}, {pipeline_mode = #tpu.pipeline_mode<synchronous>, transform_indices = @transform_7, window_bounds = array<i64: 1024, 512>}, {transform_indices = @transform_8, window_bounds = array<i64: 128, 1024>}]} {
    %get3A = arith.constant 0 : index
    %get3A_0 = arith.constant 0 : index
    %get3A_1 = vector.load %arg1[%get3A, %get3A_0] : memref<128x1024xf32, #tpu.memory_space<vmem>>, vector<128x1024xf32>
    %get3A_2 = arith.constant 0 : index
    %get3A_3 = arith.constant 0 : index
    %get3A_4 = vector.load %arg4[%get3A_2, %get3A_3] : memref<64x1024xf32, #tpu.memory_space<vmem>>, vector<64x1024xf32>
    %dot_general3A = arith.constant dense<0.000000e+00> : vector<128x64xf32>
    %dot_general3A_5 = tpu.matmul %get3A_1, %get3A_4, %dot_general3A {dimension_numbers = #tpu.dot_dimension_numbers<[1], [1], [0], [0], [0, 0, 1, 0], [], []>, transpose_lhs_hint = false} : vector<128x1024xf32>, vector<64x1024xf32>, vector<128x64xf32> -> vector<128x64xf32>
    %get3A_6 = arith.constant 0 : index
    %get3A_7 = arith.constant 0 : index
    %get3A_8 = vector.load %arg5[%get3A_6, %get3A_7] : memref<1x64xf32, #tpu.memory_space<vmem>>, vector<1x64xf32>
    %add3A = vector.broadcast %get3A_8 : vector<1x64xf32> to vector<128x64xf32>
    %add3A_9 = arith.addf %dot_general3A_5, %add3A : vector<128x64xf32>
    %neg3A = arith.constant 0.000000e+00 : f32
    %neg3A_10 = vector.broadcast %neg3A : f32 to vector<128x64xf32>
    %neg3A_11 = arith.subf %neg3A_10, %add3A_9 : vector<128x64xf32>
    %exp3A = math.exp %neg3A_11 : vector<128x64xf32>
    %add3A_12 = arith.constant 1.000000e+00 : f32
    %add3A_13 = vector.broadcast %add3A_12 : f32 to vector<128x64xf32>
    %add3A_14 = arith.addf %add3A_13, %exp3A : vector<128x64xf32>
    %div3A = arith.constant 1.000000e+00 : f32
    %div3A_15 = vector.broadcast %div3A : f32 to vector<128x64xf32>
    %div3A_16 = arith.divf %div3A_15, %add3A_14 : vector<128x64xf32>
    %iota3A = tpu.iota {dimensions = array<i32: 1>} : vector<128x64xi32>
    %reduce_max3A = arith.constant dense<0xFF800000> : vector<128xf32>
    %reduce_max3A_17 = vector.multi_reduction <maximumf>, %div3A_16, %reduce_max3A [1] : vector<128x64xf32> to vector<128xf32>
    %broadcast_in_dim3A = vector.shape_cast %reduce_max3A_17 : vector<128xf32> to vector<128x1xf32>
    %eq3A = vector.broadcast %broadcast_in_dim3A : vector<128x1xf32> to vector<128x64xf32>
    %eq3A_18 = arith.cmpf oeq, %div3A_16, %eq3A : vector<128x64xf32>
    %jit3A = arith.constant 64 : i32
    %broadcast_in_dim3A_19 = vector.broadcast %jit3A : i32 to vector<128x64xi32>
    %select_n3A = arith.select %eq3A_18, %iota3A, %broadcast_in_dim3A_19 : vector<128x64xi1>, vector<128x64xi32>
    %reduce_min3A = arith.constant dense<2147483647> : vector<128xi32>
    %reduce_min3A_20 = vector.multi_reduction <minsi>, %select_n3A, %reduce_min3A [1] : vector<128x64xi32> to vector<128xi32>
    %broadcast_in_dim3A_21 = vector.shape_cast %reduce_min3A_20 : vector<128xi32> to vector<128x1xi32>
    %eq3A_22 = vector.broadcast %broadcast_in_dim3A_21 : vector<128x1xi32> to vector<128x64xi32>
    %eq3A_23 = arith.cmpi eq, %iota3A, %eq3A_22 : vector<128x64xi32>
    %jit3A_24 = arith.constant -1.000000e+00 : f32
    %broadcast_in_dim3A_25 = vector.broadcast %jit3A_24 : f32 to vector<128x64xf32>
    %select_n3A_26 = arith.select %eq3A_23, %broadcast_in_dim3A_25, %div3A_16 : vector<128x64xi1>, vector<128x64xf32>
    %reduce_max3A_27 = arith.constant dense<0xFF800000> : vector<128xf32>
    %reduce_max3A_28 = vector.multi_reduction <maximumf>, %select_n3A_26, %reduce_max3A_27 [1] : vector<128x64xf32> to vector<128xf32>
    %broadcast_in_dim3A_29 = vector.shape_cast %reduce_max3A_28 : vector<128xf32> to vector<128x1xf32>
    %add3A_30 = arith.addf %broadcast_in_dim3A, %broadcast_in_dim3A_29 : vector<128x1xf32>
    %add3A_31 = arith.constant 9.99999971E-10 : f32
    %add3A_32 = vector.broadcast %add3A_31 : f32 to vector<128x1xf32>
    %add3A_33 = arith.addf %add3A_30, %add3A_32 : vector<128x1xf32>
    %div3A_34 = arith.divf %broadcast_in_dim3A, %add3A_33 : vector<128x1xf32>
    %div3A_35 = arith.divf %broadcast_in_dim3A_29, %add3A_33 : vector<128x1xf32>
    %get3A_36 = arith.constant 0 : index
    %get3A_37 = arith.constant 0 : index
    %get3A_38 = vector.load %arg6[%get3A_36, %get3A_37] : memref<512x1024xf32, #tpu.memory_space<vmem>>, vector<512x1024xf32>
    %get3A_39 = arith.constant 0 : index
    %get3A_40 = arith.constant 0 : index
    %get3A_41 = vector.load %arg7[%get3A_39, %get3A_40] : memref<512x1024xf32, #tpu.memory_space<vmem>>, vector<512x1024xf32>
    %get3A_42 = arith.constant 0 : index
    %get3A_43 = arith.constant 0 : index
    %get3A_44 = vector.load %arg8[%get3A_42, %get3A_43] : memref<1024x512xf32, #tpu.memory_space<vmem>>, vector<1024x512xf32>
    %convert_element_type3A = arith.truncf %get3A_1 : vector<128x1024xf32> to vector<128x1024xbf16>
    %convert_element_type3A_45 = arith.truncf %get3A_38 : vector<512x1024xf32> to vector<512x1024xbf16>
    %dot_general3A_46 = arith.constant dense<0.000000e+00> : vector<128x512xf32>
    %dot_general3A_47 = tpu.matmul %convert_element_type3A, %convert_element_type3A_45, %dot_general3A_46 {dimension_numbers = #tpu.dot_dimension_numbers<[1], [1], [0], [0], [0, 0, 1, 0], [], []>, transpose_lhs_hint = false} : vector<128x1024xbf16>, vector<512x1024xbf16>, vector<128x512xf32> -> vector<128x512xf32>
    %convert_element_type3A_48 = arith.truncf %get3A_41 : vector<512x1024xf32> to vector<512x1024xbf16>
    %dot_general3A_49 = arith.constant dense<0.000000e+00> : vector<128x512xf32>
    %dot_general3A_50 = tpu.matmul %convert_element_type3A, %convert_element_type3A_48, %dot_general3A_49 {dimension_numbers = #tpu.dot_dimension_numbers<[1], [1], [0], [0], [0, 0, 1, 0], [], []>, transpose_lhs_hint = false} : vector<128x1024xbf16>, vector<512x1024xbf16>, vector<128x512xf32> -> vector<128x512xf32>
    %neg3A_51 = arith.constant 0.000000e+00 : f32
    %neg3A_52 = vector.broadcast %neg3A_51 : f32 to vector<128x512xf32>
    %neg3A_53 = arith.subf %neg3A_52, %dot_general3A_47 : vector<128x512xf32>
    %exp3A_54 = math.exp %neg3A_53 : vector<128x512xf32>
    %add3A_55 = arith.constant 1.000000e+00 : f32
    %add3A_56 = vector.broadcast %add3A_55 : f32 to vector<128x512xf32>
    %add3A_57 = arith.addf %add3A_56, %exp3A_54 : vector<128x512xf32>
    %div3A_58 = arith.constant 1.000000e+00 : f32
    %div3A_59 = vector.broadcast %div3A_58 : f32 to vector<128x512xf32>
    %div3A_60 = arith.divf %div3A_59, %add3A_57 : vector<128x512xf32>
    %mul3A = arith.mulf %dot_general3A_47, %div3A_60 : vector<128x512xf32>
    %mul3A_61 = arith.mulf %mul3A, %dot_general3A_50 : vector<128x512xf32>
    %convert_element_type3A_62 = arith.truncf %mul3A_61 : vector<128x512xf32> to vector<128x512xbf16>
    %convert_element_type3A_63 = arith.truncf %get3A_44 : vector<1024x512xf32> to vector<1024x512xbf16>
    %dot_general3A_64 = arith.constant dense<0.000000e+00> : vector<128x1024xf32>
    %dot_general3A_65 = tpu.matmul %convert_element_type3A_62, %convert_element_type3A_63, %dot_general3A_64 {dimension_numbers = #tpu.dot_dimension_numbers<[1], [1], [0], [0], [0, 0, 1, 0], [], []>, transpose_lhs_hint = false} : vector<128x512xbf16>, vector<1024x512xbf16>, vector<128x1024xf32> -> vector<128x1024xf32>
    %get3A_66 = arith.constant 0 : index
    %get3A_67 = arith.constant 0 : index
    %get3A_68 = vector.load %arg2[%get3A_66, %get3A_67] : memref<128x1024xf32, #tpu.memory_space<vmem>>, vector<128x1024xf32>
    %mul3A_69 = vector.broadcast %div3A_34 : vector<128x1xf32> to vector<128x1024xf32>
    %mul3A_70 = arith.mulf %mul3A_69, %get3A_68 : vector<128x1024xf32>
    %get3A_71 = arith.constant 0 : index
    %get3A_72 = arith.constant 0 : index
    %get3A_73 = vector.load %arg3[%get3A_71, %get3A_72] : memref<128x1024xf32, #tpu.memory_space<vmem>>, vector<128x1024xf32>
    %mul3A_74 = vector.broadcast %div3A_35 : vector<128x1xf32> to vector<128x1024xf32>
    %mul3A_75 = arith.mulf %mul3A_74, %get3A_73 : vector<128x1024xf32>
    %add3A_76 = arith.addf %mul3A_70, %mul3A_75 : vector<128x1024xf32>
    %add3A_77 = arith.addf %add3A_76, %dot_general3A_65 : vector<128x1024xf32>
    %swap3A = arith.constant 0 : index
    %swap3A_78 = arith.constant 0 : index
    %swap3A_79 = vector.load %arg9[%swap3A, %swap3A_78] : memref<128x1024xf32, #tpu.memory_space<vmem>>, vector<128x1024xf32>
    tpu.vector_store %arg9[%swap3A, %swap3A_78], %add3A_77 {strides = array<i32>} : memref<128x1024xf32, #tpu.memory_space<vmem>>, vector<128x1024xf32>,
    return
  }
  func.func @transform_0(%arg0: i32) -> (i32, i32) {
    %c0_i32 = arith.constant 0 : i32
    %c0_i32_0 = arith.constant 0 : i32
    return %arg0, %c0_i32 : i32, i32
  }
  func.func @transform_1(%arg0: i32) -> (i32, i32) {
    %c0_i32 = arith.constant 0 : i32
    %c0_i32_0 = arith.constant 0 : i32
    return %arg0, %c0_i32 : i32, i32
  }
  func.func @transform_2(%arg0: i32) -> (i32, i32) {
    %c0_i32 = arith.constant 0 : i32
    %c0_i32_0 = arith.constant 0 : i32
    return %arg0, %c0_i32 : i32, i32
  }
  func.func @transform_3(%arg0: i32) -> (i32, i32) {
    %c0_i32 = arith.constant 0 : i32
    %c0_i32_0 = arith.constant 0 : i32
    %c0_i32_1 = arith.constant 0 : i32
    return %c0_i32, %c0_i32_0 : i32, i32
  }
  func.func @transform_4(%arg0: i32) -> (i32, i32) {
    %c0_i32 = arith.constant 0 : i32
    %c0_i32_0 = arith.constant 0 : i32
    %c0_i32_1 = arith.constant 0 : i32
    return %c0_i32, %c0_i32_0 : i32, i32
  }
  func.func @transform_5(%arg0: i32) -> (i32, i32) {
    %c0_i32 = arith.constant 0 : i32
    %c0_i32_0 = arith.constant 0 : i32
    %c0_i32_1 = arith.constant 0 : i32
    return %c0_i32, %c0_i32_0 : i32, i32
  }
  func.func @transform_6(%arg0: i32) -> (i32, i32) {
    %c0_i32 = arith.constant 0 : i32
    %c0_i32_0 = arith.constant 0 : i32
    %c0_i32_1 = arith.constant 0 : i32
    return %c0_i32, %c0_i32_0 : i32, i32
  }
  func.func @transform_7(%arg0: i32) -> (i32, i32) {
    %c0_i32 = arith.constant 0 : i32
    %c0_i32_0 = arith.constant 0 : i32
    %c0_i32_1 = arith.constant 0 : i32
    return %c0_i32, %c0_i32_0 : i32, i32
  }
  func.func @transform_8(%arg0: i32) -> (i32, i32) {
    %c0_i32 = arith.constant 0 : i32
    %c0_i32_0 = arith.constant 0 : i32
    return %arg0, %c0_i32 : i32, i32
  }
}

module attributes {stable_mosaic.version = 14 : i64} {
  func.func @_router_kernel(%arg0: memref<2048x1024xf32, #tpu.memory_space<vmem>>, %arg1: memref<64x1024xf32, #tpu.memory_space<vmem>>, %arg2: memref<64x1xf32, #tpu.memory_space<vmem>>, %arg3: memref<8x2048xi32, #tpu.memory_space<vmem>>, %arg4: memref<8x128xi32, #tpu.memory_space<vmem>>) attributes {dimension_semantics = [], scalar_prefetch = 0 : i64, scratch_operands = 0 : i64, tpu.core_type = #tpu.core_type<tc>} {
    %get3A = arith.constant 0 : index
    %get3A_0 = arith.constant 0 : index
    %get3A_1 = vector.load %arg0[%get3A, %get3A_0] : memref<2048x1024xf32, #tpu.memory_space<vmem>>, vector<2048x1024xf32>
    %get3A_2 = arith.constant 0 : index
    %get3A_3 = arith.constant 0 : index
    %get3A_4 = vector.load %arg1[%get3A_2, %get3A_3] : memref<64x1024xf32, #tpu.memory_space<vmem>>, vector<64x1024xf32>
    %dot_general3A = arith.constant dense<0.000000e+00> : vector<64x2048xf32>
    %dot_general3A_5 = tpu.matmul %get3A_4, %get3A_1, %dot_general3A {dimension_numbers = #tpu.dot_dimension_numbers<[1], [1], [0], [0], [0, 0, 1, 0], [], []>, transpose_lhs_hint = false} : vector<64x1024xf32>, vector<2048x1024xf32>, vector<64x2048xf32> -> vector<64x2048xf32>
    %get3A_6 = arith.constant 0 : index
    %get3A_7 = arith.constant 0 : index
    %get3A_8 = vector.load %arg2[%get3A_6, %get3A_7] : memref<64x1xf32, #tpu.memory_space<vmem>>, vector<64x1xf32>
    %add3A = vector.broadcast %get3A_8 : vector<64x1xf32> to vector<64x2048xf32>
    %add3A_9 = arith.addf %dot_general3A_5, %add3A : vector<64x2048xf32>
    %neg3A = arith.constant 0.000000e+00 : f32
    %neg3A_10 = vector.broadcast %neg3A : f32 to vector<64x2048xf32>
    %neg3A_11 = arith.subf %neg3A_10, %add3A_9 : vector<64x2048xf32>
    %exp3A = math.exp %neg3A_11 : vector<64x2048xf32>
    %add3A_12 = arith.constant 1.000000e+00 : f32
    %add3A_13 = vector.broadcast %add3A_12 : f32 to vector<64x2048xf32>
    %add3A_14 = arith.addf %add3A_13, %exp3A : vector<64x2048xf32>
    %div3A = arith.constant 1.000000e+00 : f32
    %div3A_15 = vector.broadcast %div3A : f32 to vector<64x2048xf32>
    %div3A_16 = arith.divf %div3A_15, %add3A_14 : vector<64x2048xf32>
    %iota3A = tpu.iota {dimensions = array<i32: 0>} : vector<64x2048xi32>
    %reduce_max3A = arith.constant dense<0xFF800000> : vector<2048xf32>
    %reduce_max3A_17 = vector.multi_reduction <maximumf>, %div3A_16, %reduce_max3A [0] : vector<64x2048xf32> to vector<2048xf32>
    %broadcast_in_dim3A = vector.shape_cast %reduce_max3A_17 : vector<2048xf32> to vector<1x2048xf32>
    %eq3A = vector.broadcast %broadcast_in_dim3A : vector<1x2048xf32> to vector<64x2048xf32>
    %eq3A_18 = arith.cmpf oeq, %div3A_16, %eq3A : vector<64x2048xf32>
    %jit3A = arith.constant 64 : i32
    %broadcast_in_dim3A_19 = vector.broadcast %jit3A : i32 to vector<64x2048xi32>
    %select_n3A = arith.select %eq3A_18, %iota3A, %broadcast_in_dim3A_19 : vector<64x2048xi1>, vector<64x2048xi32>
    %reduce_min3A = arith.constant dense<2147483647> : vector<2048xi32>
    %reduce_min3A_20 = vector.multi_reduction <minsi>, %select_n3A, %reduce_min3A [0] : vector<64x2048xi32> to vector<2048xi32>
    %broadcast_in_dim3A_21 = vector.shape_cast %reduce_min3A_20 : vector<2048xi32> to vector<1x2048xi32>
    %eq3A_22 = vector.broadcast %broadcast_in_dim3A_21 : vector<1x2048xi32> to vector<64x2048xi32>
    %eq3A_23 = arith.cmpi eq, %iota3A, %eq3A_22 : vector<64x2048xi32>
    %jit3A_24 = arith.constant -1.000000e+00 : f32
    %broadcast_in_dim3A_25 = vector.broadcast %jit3A_24 : f32 to vector<64x2048xf32>
    %select_n3A_26 = arith.select %eq3A_23, %broadcast_in_dim3A_25, %div3A_16 : vector<64x2048xi1>, vector<64x2048xf32>
    %reduce_max3A_27 = arith.constant dense<0xFF800000> : vector<2048xf32>
    %reduce_max3A_28 = vector.multi_reduction <maximumf>, %select_n3A_26, %reduce_max3A_27 [0] : vector<64x2048xf32> to vector<2048xf32>
    %broadcast_in_dim3A_29 = vector.shape_cast %reduce_max3A_28 : vector<2048xf32> to vector<1x2048xf32>
    %eq3A_30 = vector.broadcast %broadcast_in_dim3A_29 : vector<1x2048xf32> to vector<64x2048xf32>
    %eq3A_31 = arith.cmpf oeq, %select_n3A_26, %eq3A_30 : vector<64x2048xf32>
    %jit3A_32 = arith.constant 64 : i32
    %broadcast_in_dim3A_33 = vector.broadcast %jit3A_32 : i32 to vector<64x2048xi32>
    %select_n3A_34 = arith.select %eq3A_31, %iota3A, %broadcast_in_dim3A_33 : vector<64x2048xi1>, vector<64x2048xi32>
    %reduce_min3A_35 = arith.constant dense<2147483647> : vector<2048xi32>
    %reduce_min3A_36 = vector.multi_reduction <minsi>, %select_n3A_34, %reduce_min3A_35 [0] : vector<64x2048xi32> to vector<2048xi32>
    %broadcast_in_dim3A_37 = vector.shape_cast %reduce_min3A_36 : vector<2048xi32> to vector<1x2048xi32>
    %iota3A_38 = tpu.iota {dimensions = array<i32: 0>} : vector<64x2048xi32>
    %eq3A_39 = vector.broadcast %broadcast_in_dim3A_21 : vector<1x2048xi32> to vector<64x2048xi32>
    %eq3A_40 = arith.cmpi eq, %iota3A_38, %eq3A_39 : vector<64x2048xi32>
    %convert_element_type3A = arith.extui %eq3A_40 : vector<64x2048xi1> to vector<64x2048xi32>
    %convert_element_type3A_41 = arith.sitofp %convert_element_type3A : vector<64x2048xi32> to vector<64x2048xf32>
    %eq3A_42 = vector.broadcast %broadcast_in_dim3A_37 : vector<1x2048xi32> to vector<64x2048xi32>
    %eq3A_43 = arith.cmpi eq, %iota3A_38, %eq3A_42 : vector<64x2048xi32>
    %convert_element_type3A_44 = arith.extui %eq3A_43 : vector<64x2048xi1> to vector<64x2048xi32>
    %convert_element_type3A_45 = arith.sitofp %convert_element_type3A_44 : vector<64x2048xi32> to vector<64x2048xf32>
    %iota3A_46 = tpu.iota {dimensions = array<i32: 1>} : vector<128x128xi32>
    %iota3A_47 = tpu.iota {dimensions = array<i32: 0>} : vector<128x128xi32>
    %le3A = arith.cmpi sle, %iota3A_47, %iota3A_46 : vector<128x128xi32>
    %convert_element_type3A_48 = arith.extui %le3A : vector<128x128xi1> to vector<128x128xi32>
    %convert_element_type3A_49 = arith.sitofp %convert_element_type3A_48 : vector<128x128xi32> to vector<128x128xf32>
    %broadcast_in_dim3A_50 = arith.constant 0.000000e+00 : f32
    %broadcast_in_dim3A_51 = vector.broadcast %broadcast_in_dim3A_50 : f32 to vector<64x1xf32>
    %broadcast_in_dim3A_52 = arith.constant 0.000000e+00 : f32
    %broadcast_in_dim3A_53 = vector.broadcast %broadcast_in_dim3A_52 : f32 to vector<64x1xf32>
    %slice3A = vector.extract_strided_slice %convert_element_type3A_41 {offsets = [0, 0], sizes = [64, 128], strides = [1, 1]} : vector<64x2048xf32> to vector<64x128xf32>
    %slice3A_54 = vector.extract_strided_slice %convert_element_type3A_45 {offsets = [0, 0], sizes = [64, 128], strides = [1, 1]} : vector<64x2048xf32> to vector<64x128xf32>
    %dot_general3A_55 = arith.constant dense<0.000000e+00> : vector<64x128xf32>
    %dot_general3A_56 = tpu.matmul %slice3A, %convert_element_type3A_49, %dot_general3A_55 {dimension_numbers = #tpu.dot_dimension_numbers<[1], [0], [0], [1], [0, 0, 1, 1], [], []>, transpose_lhs_hint = false} : vector<64x128xf32>, vector<128x128xf32>, vector<64x128xf32> -> vector<64x128xf32>
    %add3A_57 = vector.broadcast %broadcast_in_dim3A_51 : vector<64x1xf32> to vector<64x128xf32>
    %add3A_58 = arith.addf %dot_general3A_56, %add3A_57 : vector<64x128xf32>
    %dot_general3A_59 = arith.constant dense<0.000000e+00> : vector<64x128xf32>
    %dot_general3A_60 = tpu.matmul %slice3A_54, %convert_element_type3A_49, %dot_general3A_59 {dimension_numbers = #tpu.dot_dimension_numbers<[1], [0], [0], [1], [0, 0, 1, 1], [], []>, transpose_lhs_hint = false} : vector<64x128xf32>, vector<128x128xf32>, vector<64x128xf32> -> vector<64x128xf32>
    %add3A_61 = vector.broadcast %broadcast_in_dim3A_53 : vector<64x1xf32> to vector<64x128xf32>
    %add3A_62 = arith.addf %dot_general3A_60, %add3A_61 : vector<64x128xf32>
    %sub3A = arith.subf %add3A_58, %slice3A : vector<64x128xf32>
    %sub3A_63 = arith.subf %add3A_62, %slice3A_54 : vector<64x128xf32>
    %slice3A_64 = vector.extract_strided_slice %add3A_58 {offsets = [0, 127], sizes = [64, 1], strides = [1, 1]} : vector<64x128xf32> to vector<64x1xf32>
    %slice3A_65 = vector.extract_strided_slice %add3A_62 {offsets = [0, 127], sizes = [64, 1], strides = [1, 1]} : vector<64x128xf32> to vector<64x1xf32>
    %slice3A_66 = vector.extract_strided_slice %convert_element_type3A_41 {offsets = [0, 128], sizes = [64, 128], strides = [1, 1]} : vector<64x2048xf32> to vector<64x128xf32>
    %slice3A_67 = vector.extract_strided_slice %convert_element_type3A_45 {offsets = [0, 128], sizes = [64, 128], strides = [1, 1]} : vector<64x2048xf32> to vector<64x128xf32>
    %dot_general3A_68 = arith.constant dense<0.000000e+00> : vector<64x128xf32>
    %dot_general3A_69 = tpu.matmul %slice3A_66, %convert_element_type3A_49, %dot_general3A_68 {dimension_numbers = #tpu.dot_dimension_numbers<[1], [0], [0], [1], [0, 0, 1, 1], [], []>, transpose_lhs_hint = false} : vector<64x128xf32>, vector<128x128xf32>, vector<64x128xf32> -> vector<64x128xf32>
    %add3A_70 = vector.broadcast %slice3A_64 : vector<64x1xf32> to vector<64x128xf32>
    %add3A_71 = arith.addf %dot_general3A_69, %add3A_70 : vector<64x128xf32>
    %dot_general3A_72 = arith.constant dense<0.000000e+00> : vector<64x128xf32>
    %dot_general3A_73 = tpu.matmul %slice3A_67, %convert_element_type3A_49, %dot_general3A_72 {dimension_numbers = #tpu.dot_dimension_numbers<[1], [0], [0], [1], [0, 0, 1, 1], [], []>, transpose_lhs_hint = false} : vector<64x128xf32>, vector<128x128xf32>, vector<64x128xf32> -> vector<64x128xf32>
    %add3A_74 = vector.broadcast %slice3A_65 : vector<64x1xf32> to vector<64x128xf32>
    %add3A_75 = arith.addf %dot_general3A_73, %add3A_74 : vector<64x128xf32>
    %sub3A_76 = arith.subf %add3A_71, %slice3A_66 : vector<64x128xf32>
    %sub3A_77 = arith.subf %add3A_75, %slice3A_67 : vector<64x128xf32>
    %slice3A_78 = vector.extract_strided_slice %add3A_71 {offsets = [0, 127], sizes = [64, 1], strides = [1, 1]} : vector<64x128xf32> to vector<64x1xf32>
    %slice3A_79 = vector.extract_strided_slice %add3A_75 {offsets = [0, 127], sizes = [64, 1], strides = [1, 1]} : vector<64x128xf32> to vector<64x1xf32>
    %slice3A_80 = vector.extract_strided_slice %convert_element_type3A_41 {offsets = [0, 256], sizes = [64, 128], strides = [1, 1]} : vector<64x2048xf32> to vector<64x128xf32>
    %slice3A_81 = vector.extract_strided_slice %convert_element_type3A_45 {offsets = [0, 256], sizes = [64, 128], strides = [1, 1]} : vector<64x2048xf32> to vector<64x128xf32>
    %dot_general3A_82 = arith.constant dense<0.000000e+00> : vector<64x128xf32>
    %dot_general3A_83 = tpu.matmul %slice3A_80, %convert_element_type3A_49, %dot_general3A_82 {dimension_numbers = #tpu.dot_dimension_numbers<[1], [0], [0], [1], [0, 0, 1, 1], [], []>, transpose_lhs_hint = false} : vector<64x128xf32>, vector<128x128xf32>, vector<64x128xf32> -> vector<64x128xf32>
    %add3A_84 = vector.broadcast %slice3A_78 : vector<64x1xf32> to vector<64x128xf32>
    %add3A_85 = arith.addf %dot_general3A_83, %add3A_84 : vector<64x128xf32>
    %dot_general3A_86 = arith.constant dense<0.000000e+00> : vector<64x128xf32>
    %dot_general3A_87 = tpu.matmul %slice3A_81, %convert_element_type3A_49, %dot_general3A_86 {dimension_numbers = #tpu.dot_dimension_numbers<[1], [0], [0], [1], [0, 0, 1, 1], [], []>, transpose_lhs_hint = false} : vector<64x128xf32>, vector<128x128xf32>, vector<64x128xf32> -> vector<64x128xf32>
    %add3A_88 = vector.broadcast %slice3A_79 : vector<64x1xf32> to vector<64x128xf32>
    %add3A_89 = arith.addf %dot_general3A_87, %add3A_88 : vector<64x128xf32>
    %sub3A_90 = arith.subf %add3A_85, %slice3A_80 : vector<64x128xf32>
    %sub3A_91 = arith.subf %add3A_89, %slice3A_81 : vector<64x128xf32>
    %slice3A_92 = vector.extract_strided_slice %add3A_85 {offsets = [0, 127], sizes = [64, 1], strides = [1, 1]} : vector<64x128xf32> to vector<64x1xf32>
    %slice3A_93 = vector.extract_strided_slice %add3A_89 {offsets = [0, 127], sizes = [64, 1], strides = [1, 1]} : vector<64x128xf32> to vector<64x1xf32>
    %slice3A_94 = vector.extract_strided_slice %convert_element_type3A_41 {offsets = [0, 384], sizes = [64, 128], strides = [1, 1]} : vector<64x2048xf32> to vector<64x128xf32>
    %slice3A_95 = vector.extract_strided_slice %convert_element_type3A_45 {offsets = [0, 384], sizes = [64, 128], strides = [1, 1]} : vector<64x2048xf32> to vector<64x128xf32>
    %dot_general3A_96 = arith.constant dense<0.000000e+00> : vector<64x128xf32>
    %dot_general3A_97 = tpu.matmul %slice3A_94, %convert_element_type3A_49, %dot_general3A_96 {dimension_numbers = #tpu.dot_dimension_numbers<[1], [0], [0], [1], [0, 0, 1, 1], [], []>, transpose_lhs_hint = false} : vector<64x128xf32>, vector<128x128xf32>, vector<64x128xf32> -> vector<64x128xf32>
    %add3A_98 = vector.broadcast %slice3A_92 : vector<64x1xf32> to vector<64x128xf32>
    %add3A_99 = arith.addf %dot_general3A_97, %add3A_98 : vector<64x128xf32>
    %dot_general3A_100 = arith.constant dense<0.000000e+00> : vector<64x128xf32>
    %dot_general3A_101 = tpu.matmul %slice3A_95, %convert_element_type3A_49, %dot_general3A_100 {dimension_numbers = #tpu.dot_dimension_numbers<[1], [0], [0], [1], [0, 0, 1, 1], [], []>, transpose_lhs_hint = false} : vector<64x128xf32>, vector<128x128xf32>, vector<64x128xf32> -> vector<64x128xf32>
    %add3A_102 = vector.broadcast %slice3A_93 : vector<64x1xf32> to vector<64x128xf32>
    %add3A_103 = arith.addf %dot_general3A_101, %add3A_102 : vector<64x128xf32>
    %sub3A_104 = arith.subf %add3A_99, %slice3A_94 : vector<64x128xf32>
    %sub3A_105 = arith.subf %add3A_103, %slice3A_95 : vector<64x128xf32>
    %slice3A_106 = vector.extract_strided_slice %add3A_99 {offsets = [0, 127], sizes = [64, 1], strides = [1, 1]} : vector<64x128xf32> to vector<64x1xf32>
    %slice3A_107 = vector.extract_strided_slice %add3A_103 {offsets = [0, 127], sizes = [64, 1], strides = [1, 1]} : vector<64x128xf32> to vector<64x1xf32>
    %slice3A_108 = vector.extract_strided_slice %convert_element_type3A_41 {offsets = [0, 512], sizes = [64, 128], strides = [1, 1]} : vector<64x2048xf32> to vector<64x128xf32>
    %slice3A_109 = vector.extract_strided_slice %convert_element_type3A_45 {offsets = [0, 512], sizes = [64, 128], strides = [1, 1]} : vector<64x2048xf32> to vector<64x128xf32>
    %dot_general3A_110 = arith.constant dense<0.000000e+00> : vector<64x128xf32>
    %dot_general3A_111 = tpu.matmul %slice3A_108, %convert_element_type3A_49, %dot_general3A_110 {dimension_numbers = #tpu.dot_dimension_numbers<[1], [0], [0], [1], [0, 0, 1, 1], [], []>, transpose_lhs_hint = false} : vector<64x128xf32>, vector<128x128xf32>, vector<64x128xf32> -> vector<64x128xf32>
    %add3A_112 = vector.broadcast %slice3A_106 : vector<64x1xf32> to vector<64x128xf32>
    %add3A_113 = arith.addf %dot_general3A_111, %add3A_112 : vector<64x128xf32>
    %dot_general3A_114 = arith.constant dense<0.000000e+00> : vector<64x128xf32>
    %dot_general3A_115 = tpu.matmul %slice3A_109, %convert_element_type3A_49, %dot_general3A_114 {dimension_numbers = #tpu.dot_dimension_numbers<[1], [0], [0], [1], [0, 0, 1, 1], [], []>, transpose_lhs_hint = false} : vector<64x128xf32>, vector<128x128xf32>, vector<64x128xf32> -> vector<64x128xf32>
    %add3A_116 = vector.broadcast %slice3A_107 : vector<64x1xf32> to vector<64x128xf32>
    %add3A_117 = arith.addf %dot_general3A_115, %add3A_116 : vector<64x128xf32>
    %sub3A_118 = arith.subf %add3A_113, %slice3A_108 : vector<64x128xf32>
    %sub3A_119 = arith.subf %add3A_117, %slice3A_109 : vector<64x128xf32>
    %slice3A_120 = vector.extract_strided_slice %add3A_113 {offsets = [0, 127], sizes = [64, 1], strides = [1, 1]} : vector<64x128xf32> to vector<64x1xf32>
    %slice3A_121 = vector.extract_strided_slice %add3A_117 {offsets = [0, 127], sizes = [64, 1], strides = [1, 1]} : vector<64x128xf32> to vector<64x1xf32>
    %slice3A_122 = vector.extract_strided_slice %convert_element_type3A_41 {offsets = [0, 640], sizes = [64, 128], strides = [1, 1]} : vector<64x2048xf32> to vector<64x128xf32>
    %slice3A_123 = vector.extract_strided_slice %convert_element_type3A_45 {offsets = [0, 640], sizes = [64, 128], strides = [1, 1]} : vector<64x2048xf32> to vector<64x128xf32>
    %dot_general3A_124 = arith.constant dense<0.000000e+00> : vector<64x128xf32>
    %dot_general3A_125 = tpu.matmul %slice3A_122, %convert_element_type3A_49, %dot_general3A_124 {dimension_numbers = #tpu.dot_dimension_numbers<[1], [0], [0], [1], [0, 0, 1, 1], [], []>, transpose_lhs_hint = false} : vector<64x128xf32>, vector<128x128xf32>, vector<64x128xf32> -> vector<64x128xf32>
    %add3A_126 = vector.broadcast %slice3A_120 : vector<64x1xf32> to vector<64x128xf32>
    %add3A_127 = arith.addf %dot_general3A_125, %add3A_126 : vector<64x128xf32>
    %dot_general3A_128 = arith.constant dense<0.000000e+00> : vector<64x128xf32>
    %dot_general3A_129 = tpu.matmul %slice3A_123, %convert_element_type3A_49, %dot_general3A_128 {dimension_numbers = #tpu.dot_dimension_numbers<[1], [0], [0], [1], [0, 0, 1, 1], [], []>, transpose_lhs_hint = false} : vector<64x128xf32>, vector<128x128xf32>, vector<64x128xf32> -> vector<64x128xf32>
    %add3A_130 = vector.broadcast %slice3A_121 : vector<64x1xf32> to vector<64x128xf32>
    %add3A_131 = arith.addf %dot_general3A_129, %add3A_130 : vector<64x128xf32>
    %sub3A_132 = arith.subf %add3A_127, %slice3A_122 : vector<64x128xf32>
    %sub3A_133 = arith.subf %add3A_131, %slice3A_123 : vector<64x128xf32>
    %slice3A_134 = vector.extract_strided_slice %add3A_127 {offsets = [0, 127], sizes = [64, 1], strides = [1, 1]} : vector<64x128xf32> to vector<64x1xf32>
    %slice3A_135 = vector.extract_strided_slice %add3A_131 {offsets = [0, 127], sizes = [64, 1], strides = [1, 1]} : vector<64x128xf32> to vector<64x1xf32>
    %slice3A_136 = vector.extract_strided_slice %convert_element_type3A_41 {offsets = [0, 768], sizes = [64, 128], strides = [1, 1]} : vector<64x2048xf32> to vector<64x128xf32>
    %slice3A_137 = vector.extract_strided_slice %convert_element_type3A_45 {offsets = [0, 768], sizes = [64, 128], strides = [1, 1]} : vector<64x2048xf32> to vector<64x128xf32>
    %dot_general3A_138 = arith.constant dense<0.000000e+00> : vector<64x128xf32>
    %dot_general3A_139 = tpu.matmul %slice3A_136, %convert_element_type3A_49, %dot_general3A_138 {dimension_numbers = #tpu.dot_dimension_numbers<[1], [0], [0], [1], [0, 0, 1, 1], [], []>, transpose_lhs_hint = false} : vector<64x128xf32>, vector<128x128xf32>, vector<64x128xf32> -> vector<64x128xf32>
    %add3A_140 = vector.broadcast %slice3A_134 : vector<64x1xf32> to vector<64x128xf32>
    %add3A_141 = arith.addf %dot_general3A_139, %add3A_140 : vector<64x128xf32>
    %dot_general3A_142 = arith.constant dense<0.000000e+00> : vector<64x128xf32>
    %dot_general3A_143 = tpu.matmul %slice3A_137, %convert_element_type3A_49, %dot_general3A_142 {dimension_numbers = #tpu.dot_dimension_numbers<[1], [0], [0], [1], [0, 0, 1, 1], [], []>, transpose_lhs_hint = false} : vector<64x128xf32>, vector<128x128xf32>, vector<64x128xf32> -> vector<64x128xf32>
    %add3A_144 = vector.broadcast %slice3A_135 : vector<64x1xf32> to vector<64x128xf32>
    %add3A_145 = arith.addf %dot_general3A_143, %add3A_144 : vector<64x128xf32>
    %sub3A_146 = arith.subf %add3A_141, %slice3A_136 : vector<64x128xf32>
    %sub3A_147 = arith.subf %add3A_145, %slice3A_137 : vector<64x128xf32>
    %slice3A_148 = vector.extract_strided_slice %add3A_141 {offsets = [0, 127], sizes = [64, 1], strides = [1, 1]} : vector<64x128xf32> to vector<64x1xf32>
    %slice3A_149 = vector.extract_strided_slice %add3A_145 {offsets = [0, 127], sizes = [64, 1], strides = [1, 1]} : vector<64x128xf32> to vector<64x1xf32>
    %slice3A_150 = vector.extract_strided_slice %convert_element_type3A_41 {offsets = [0, 896], sizes = [64, 128], strides = [1, 1]} : vector<64x2048xf32> to vector<64x128xf32>
    %slice3A_151 = vector.extract_strided_slice %convert_element_type3A_45 {offsets = [0, 896], sizes = [64, 128], strides = [1, 1]} : vector<64x2048xf32> to vector<64x128xf32>
    %dot_general3A_152 = arith.constant dense<0.000000e+00> : vector<64x128xf32>
    %dot_general3A_153 = tpu.matmul %slice3A_150, %convert_element_type3A_49, %dot_general3A_152 {dimension_numbers = #tpu.dot_dimension_numbers<[1], [0], [0], [1], [0, 0, 1, 1], [], []>, transpose_lhs_hint = false} : vector<64x128xf32>, vector<128x128xf32>, vector<64x128xf32> -> vector<64x128xf32>
    %add3A_154 = vector.broadcast %slice3A_148 : vector<64x1xf32> to vector<64x128xf32>
    %add3A_155 = arith.addf %dot_general3A_153, %add3A_154 : vector<64x128xf32>
    %dot_general3A_156 = arith.constant dense<0.000000e+00> : vector<64x128xf32>
    %dot_general3A_157 = tpu.matmul %slice3A_151, %convert_element_type3A_49, %dot_general3A_156 {dimension_numbers = #tpu.dot_dimension_numbers<[1], [0], [0], [1], [0, 0, 1, 1], [], []>, transpose_lhs_hint = false} : vector<64x128xf32>, vector<128x128xf32>, vector<64x128xf32> -> vector<64x128xf32>
    %add3A_158 = vector.broadcast %slice3A_149 : vector<64x1xf32> to vector<64x128xf32>
    %add3A_159 = arith.addf %dot_general3A_157, %add3A_158 : vector<64x128xf32>
    %sub3A_160 = arith.subf %add3A_155, %slice3A_150 : vector<64x128xf32>
    %sub3A_161 = arith.subf %add3A_159, %slice3A_151 : vector<64x128xf32>
    %slice3A_162 = vector.extract_strided_slice %add3A_155 {offsets = [0, 127], sizes = [64, 1], strides = [1, 1]} : vector<64x128xf32> to vector<64x1xf32>
    %slice3A_163 = vector.extract_strided_slice %add3A_159 {offsets = [0, 127], sizes = [64, 1], strides = [1, 1]} : vector<64x128xf32> to vector<64x1xf32>
    %slice3A_164 = vector.extract_strided_slice %convert_element_type3A_41 {offsets = [0, 1024], sizes = [64, 128], strides = [1, 1]} : vector<64x2048xf32> to vector<64x128xf32>
    %slice3A_165 = vector.extract_strided_slice %convert_element_type3A_45 {offsets = [0, 1024], sizes = [64, 128], strides = [1, 1]} : vector<64x2048xf32> to vector<64x128xf32>
    %dot_general3A_166 = arith.constant dense<0.000000e+00> : vector<64x128xf32>
    %dot_general3A_167 = tpu.matmul %slice3A_164, %convert_element_type3A_49, %dot_general3A_166 {dimension_numbers = #tpu.dot_dimension_numbers<[1], [0], [0], [1], [0, 0, 1, 1], [], []>, transpose_lhs_hint = false} : vector<64x128xf32>, vector<128x128xf32>, vector<64x128xf32> -> vector<64x128xf32>
    %add3A_168 = vector.broadcast %slice3A_162 : vector<64x1xf32> to vector<64x128xf32>
    %add3A_169 = arith.addf %dot_general3A_167, %add3A_168 : vector<64x128xf32>
    %dot_general3A_170 = arith.constant dense<0.000000e+00> : vector<64x128xf32>
    %dot_general3A_171 = tpu.matmul %slice3A_165, %convert_element_type3A_49, %dot_general3A_170 {dimension_numbers = #tpu.dot_dimension_numbers<[1], [0], [0], [1], [0, 0, 1, 1], [], []>, transpose_lhs_hint = false} : vector<64x128xf32>, vector<128x128xf32>, vector<64x128xf32> -> vector<64x128xf32>
    %add3A_172 = vector.broadcast %slice3A_163 : vector<64x1xf32> to vector<64x128xf32>
    %add3A_173 = arith.addf %dot_general3A_171, %add3A_172 : vector<64x128xf32>
    %sub3A_174 = arith.subf %add3A_169, %slice3A_164 : vector<64x128xf32>
    %sub3A_175 = arith.subf %add3A_173, %slice3A_165 : vector<64x128xf32>
    %slice3A_176 = vector.extract_strided_slice %add3A_169 {offsets = [0, 127], sizes = [64, 1], strides = [1, 1]} : vector<64x128xf32> to vector<64x1xf32>
    %slice3A_177 = vector.extract_strided_slice %add3A_173 {offsets = [0, 127], sizes = [64, 1], strides = [1, 1]} : vector<64x128xf32> to vector<64x1xf32>
    %slice3A_178 = vector.extract_strided_slice %convert_element_type3A_41 {offsets = [0, 1152], sizes = [64, 128], strides = [1, 1]} : vector<64x2048xf32> to vector<64x128xf32>
    %slice3A_179 = vector.extract_strided_slice %convert_element_type3A_45 {offsets = [0, 1152], sizes = [64, 128], strides = [1, 1]} : vector<64x2048xf32> to vector<64x128xf32>
    %dot_general3A_180 = arith.constant dense<0.000000e+00> : vector<64x128xf32>
    %dot_general3A_181 = tpu.matmul %slice3A_178, %convert_element_type3A_49, %dot_general3A_180 {dimension_numbers = #tpu.dot_dimension_numbers<[1], [0], [0], [1], [0, 0, 1, 1], [], []>, transpose_lhs_hint = false} : vector<64x128xf32>, vector<128x128xf32>, vector<64x128xf32> -> vector<64x128xf32>
    %add3A_182 = vector.broadcast %slice3A_176 : vector<64x1xf32> to vector<64x128xf32>
    %add3A_183 = arith.addf %dot_general3A_181, %add3A_182 : vector<64x128xf32>
    %dot_general3A_184 = arith.constant dense<0.000000e+00> : vector<64x128xf32>
    %dot_general3A_185 = tpu.matmul %slice3A_179, %convert_element_type3A_49, %dot_general3A_184 {dimension_numbers = #tpu.dot_dimension_numbers<[1], [0], [0], [1], [0, 0, 1, 1], [], []>, transpose_lhs_hint = false} : vector<64x128xf32>, vector<128x128xf32>, vector<64x128xf32> -> vector<64x128xf32>
    %add3A_186 = vector.broadcast %slice3A_177 : vector<64x1xf32> to vector<64x128xf32>
    %add3A_187 = arith.addf %dot_general3A_185, %add3A_186 : vector<64x128xf32>
    %sub3A_188 = arith.subf %add3A_183, %slice3A_178 : vector<64x128xf32>
    %sub3A_189 = arith.subf %add3A_187, %slice3A_179 : vector<64x128xf32>
    %slice3A_190 = vector.extract_strided_slice %add3A_183 {offsets = [0, 127], sizes = [64, 1], strides = [1, 1]} : vector<64x128xf32> to vector<64x1xf32>
    %slice3A_191 = vector.extract_strided_slice %add3A_187 {offsets = [0, 127], sizes = [64, 1], strides = [1, 1]} : vector<64x128xf32> to vector<64x1xf32>
    %slice3A_192 = vector.extract_strided_slice %convert_element_type3A_41 {offsets = [0, 1280], sizes = [64, 128], strides = [1, 1]} : vector<64x2048xf32> to vector<64x128xf32>
    %slice3A_193 = vector.extract_strided_slice %convert_element_type3A_45 {offsets = [0, 1280], sizes = [64, 128], strides = [1, 1]} : vector<64x2048xf32> to vector<64x128xf32>
    %dot_general3A_194 = arith.constant dense<0.000000e+00> : vector<64x128xf32>
    %dot_general3A_195 = tpu.matmul %slice3A_192, %convert_element_type3A_49, %dot_general3A_194 {dimension_numbers = #tpu.dot_dimension_numbers<[1], [0], [0], [1], [0, 0, 1, 1], [], []>, transpose_lhs_hint = false} : vector<64x128xf32>, vector<128x128xf32>, vector<64x128xf32> -> vector<64x128xf32>
    %add3A_196 = vector.broadcast %slice3A_190 : vector<64x1xf32> to vector<64x128xf32>
    %add3A_197 = arith.addf %dot_general3A_195, %add3A_196 : vector<64x128xf32>
    %dot_general3A_198 = arith.constant dense<0.000000e+00> : vector<64x128xf32>
    %dot_general3A_199 = tpu.matmul %slice3A_193, %convert_element_type3A_49, %dot_general3A_198 {dimension_numbers = #tpu.dot_dimension_numbers<[1], [0], [0], [1], [0, 0, 1, 1], [], []>, transpose_lhs_hint = false} : vector<64x128xf32>, vector<128x128xf32>, vector<64x128xf32> -> vector<64x128xf32>
    %add3A_200 = vector.broadcast %slice3A_191 : vector<64x1xf32> to vector<64x128xf32>
    %add3A_201 = arith.addf %dot_general3A_199, %add3A_200 : vector<64x128xf32>
    %sub3A_202 = arith.subf %add3A_197, %slice3A_192 : vector<64x128xf32>
    %sub3A_203 = arith.subf %add3A_201, %slice3A_193 : vector<64x128xf32>
    %slice3A_204 = vector.extract_strided_slice %add3A_197 {offsets = [0, 127], sizes = [64, 1], strides = [1, 1]} : vector<64x128xf32> to vector<64x1xf32>
    %slice3A_205 = vector.extract_strided_slice %add3A_201 {offsets = [0, 127], sizes = [64, 1], strides = [1, 1]} : vector<64x128xf32> to vector<64x1xf32>
    %slice3A_206 = vector.extract_strided_slice %convert_element_type3A_41 {offsets = [0, 1408], sizes = [64, 128], strides = [1, 1]} : vector<64x2048xf32> to vector<64x128xf32>
    %slice3A_207 = vector.extract_strided_slice %convert_element_type3A_45 {offsets = [0, 1408], sizes = [64, 128], strides = [1, 1]} : vector<64x2048xf32> to vector<64x128xf32>
    %dot_general3A_208 = arith.constant dense<0.000000e+00> : vector<64x128xf32>
    %dot_general3A_209 = tpu.matmul %slice3A_206, %convert_element_type3A_49, %dot_general3A_208 {dimension_numbers = #tpu.dot_dimension_numbers<[1], [0], [0], [1], [0, 0, 1, 1], [], []>, transpose_lhs_hint = false} : vector<64x128xf32>, vector<128x128xf32>, vector<64x128xf32> -> vector<64x128xf32>
    %add3A_210 = vector.broadcast %slice3A_204 : vector<64x1xf32> to vector<64x128xf32>
    %add3A_211 = arith.addf %dot_general3A_209, %add3A_210 : vector<64x128xf32>
    %dot_general3A_212 = arith.constant dense<0.000000e+00> : vector<64x128xf32>
    %dot_general3A_213 = tpu.matmul %slice3A_207, %convert_element_type3A_49, %dot_general3A_212 {dimension_numbers = #tpu.dot_dimension_numbers<[1], [0], [0], [1], [0, 0, 1, 1], [], []>, transpose_lhs_hint = false} : vector<64x128xf32>, vector<128x128xf32>, vector<64x128xf32> -> vector<64x128xf32>
    %add3A_214 = vector.broadcast %slice3A_205 : vector<64x1xf32> to vector<64x128xf32>
    %add3A_215 = arith.addf %dot_general3A_213, %add3A_214 : vector<64x128xf32>
    %sub3A_216 = arith.subf %add3A_211, %slice3A_206 : vector<64x128xf32>
    %sub3A_217 = arith.subf %add3A_215, %slice3A_207 : vector<64x128xf32>
    %slice3A_218 = vector.extract_strided_slice %add3A_211 {offsets = [0, 127], sizes = [64, 1], strides = [1, 1]} : vector<64x128xf32> to vector<64x1xf32>
    %slice3A_219 = vector.extract_strided_slice %add3A_215 {offsets = [0, 127], sizes = [64, 1], strides = [1, 1]} : vector<64x128xf32> to vector<64x1xf32>
    %slice3A_220 = vector.extract_strided_slice %convert_element_type3A_41 {offsets = [0, 1536], sizes = [64, 128], strides = [1, 1]} : vector<64x2048xf32> to vector<64x128xf32>
    %slice3A_221 = vector.extract_strided_slice %convert_element_type3A_45 {offsets = [0, 1536], sizes = [64, 128], strides = [1, 1]} : vector<64x2048xf32> to vector<64x128xf32>
    %dot_general3A_222 = arith.constant dense<0.000000e+00> : vector<64x128xf32>
    %dot_general3A_223 = tpu.matmul %slice3A_220, %convert_element_type3A_49, %dot_general3A_222 {dimension_numbers = #tpu.dot_dimension_numbers<[1], [0], [0], [1], [0, 0, 1, 1], [], []>, transpose_lhs_hint = false} : vector<64x128xf32>, vector<128x128xf32>, vector<64x128xf32> -> vector<64x128xf32>
    %add3A_224 = vector.broadcast %slice3A_218 : vector<64x1xf32> to vector<64x128xf32>
    %add3A_225 = arith.addf %dot_general3A_223, %add3A_224 : vector<64x128xf32>
    %dot_general3A_226 = arith.constant dense<0.000000e+00> : vector<64x128xf32>
    %dot_general3A_227 = tpu.matmul %slice3A_221, %convert_element_type3A_49, %dot_general3A_226 {dimension_numbers = #tpu.dot_dimension_numbers<[1], [0], [0], [1], [0, 0, 1, 1], [], []>, transpose_lhs_hint = false} : vector<64x128xf32>, vector<128x128xf32>, vector<64x128xf32> -> vector<64x128xf32>
    %add3A_228 = vector.broadcast %slice3A_219 : vector<64x1xf32> to vector<64x128xf32>
    %add3A_229 = arith.addf %dot_general3A_227, %add3A_228 : vector<64x128xf32>
    %sub3A_230 = arith.subf %add3A_225, %slice3A_220 : vector<64x128xf32>
    %sub3A_231 = arith.subf %add3A_229, %slice3A_221 : vector<64x128xf32>
    %slice3A_232 = vector.extract_strided_slice %add3A_225 {offsets = [0, 127], sizes = [64, 1], strides = [1, 1]} : vector<64x128xf32> to vector<64x1xf32>
    %slice3A_233 = vector.extract_strided_slice %add3A_229 {offsets = [0, 127], sizes = [64, 1], strides = [1, 1]} : vector<64x128xf32> to vector<64x1xf32>
    %slice3A_234 = vector.extract_strided_slice %convert_element_type3A_41 {offsets = [0, 1664], sizes = [64, 128], strides = [1, 1]} : vector<64x2048xf32> to vector<64x128xf32>
    %slice3A_235 = vector.extract_strided_slice %convert_element_type3A_45 {offsets = [0, 1664], sizes = [64, 128], strides = [1, 1]} : vector<64x2048xf32> to vector<64x128xf32>
    %dot_general3A_236 = arith.constant dense<0.000000e+00> : vector<64x128xf32>
    %dot_general3A_237 = tpu.matmul %slice3A_234, %convert_element_type3A_49, %dot_general3A_236 {dimension_numbers = #tpu.dot_dimension_numbers<[1], [0], [0], [1], [0, 0, 1, 1], [], []>, transpose_lhs_hint = false} : vector<64x128xf32>, vector<128x128xf32>, vector<64x128xf32> -> vector<64x128xf32>
    %add3A_238 = vector.broadcast %slice3A_232 : vector<64x1xf32> to vector<64x128xf32>
    %add3A_239 = arith.addf %dot_general3A_237, %add3A_238 : vector<64x128xf32>
    %dot_general3A_240 = arith.constant dense<0.000000e+00> : vector<64x128xf32>
    %dot_general3A_241 = tpu.matmul %slice3A_235, %convert_element_type3A_49, %dot_general3A_240 {dimension_numbers = #tpu.dot_dimension_numbers<[1], [0], [0], [1], [0, 0, 1, 1], [], []>, transpose_lhs_hint = false} : vector<64x128xf32>, vector<128x128xf32>, vector<64x128xf32> -> vector<64x128xf32>
    %add3A_242 = vector.broadcast %slice3A_233 : vector<64x1xf32> to vector<64x128xf32>
    %add3A_243 = arith.addf %dot_general3A_241, %add3A_242 : vector<64x128xf32>
    %sub3A_244 = arith.subf %add3A_239, %slice3A_234 : vector<64x128xf32>
    %sub3A_245 = arith.subf %add3A_243, %slice3A_235 : vector<64x128xf32>
    %slice3A_246 = vector.extract_strided_slice %add3A_239 {offsets = [0, 127], sizes = [64, 1], strides = [1, 1]} : vector<64x128xf32> to vector<64x1xf32>
    %slice3A_247 = vector.extract_strided_slice %add3A_243 {offsets = [0, 127], sizes = [64, 1], strides = [1, 1]} : vector<64x128xf32> to vector<64x1xf32>
    %slice3A_248 = vector.extract_strided_slice %convert_element_type3A_41 {offsets = [0, 1792], sizes = [64, 128], strides = [1, 1]} : vector<64x2048xf32> to vector<64x128xf32>
    %slice3A_249 = vector.extract_strided_slice %convert_element_type3A_45 {offsets = [0, 1792], sizes = [64, 128], strides = [1, 1]} : vector<64x2048xf32> to vector<64x128xf32>
    %dot_general3A_250 = arith.constant dense<0.000000e+00> : vector<64x128xf32>
    %dot_general3A_251 = tpu.matmul %slice3A_248, %convert_element_type3A_49, %dot_general3A_250 {dimension_numbers = #tpu.dot_dimension_numbers<[1], [0], [0], [1], [0, 0, 1, 1], [], []>, transpose_lhs_hint = false} : vector<64x128xf32>, vector<128x128xf32>, vector<64x128xf32> -> vector<64x128xf32>
    %add3A_252 = vector.broadcast %slice3A_246 : vector<64x1xf32> to vector<64x128xf32>
    %add3A_253 = arith.addf %dot_general3A_251, %add3A_252 : vector<64x128xf32>
    %dot_general3A_254 = arith.constant dense<0.000000e+00> : vector<64x128xf32>
    %dot_general3A_255 = tpu.matmul %slice3A_249, %convert_element_type3A_49, %dot_general3A_254 {dimension_numbers = #tpu.dot_dimension_numbers<[1], [0], [0], [1], [0, 0, 1, 1], [], []>, transpose_lhs_hint = false} : vector<64x128xf32>, vector<128x128xf32>, vector<64x128xf32> -> vector<64x128xf32>
    %add3A_256 = vector.broadcast %slice3A_247 : vector<64x1xf32> to vector<64x128xf32>
    %add3A_257 = arith.addf %dot_general3A_255, %add3A_256 : vector<64x128xf32>
    %sub3A_258 = arith.subf %add3A_253, %slice3A_248 : vector<64x128xf32>
    %sub3A_259 = arith.subf %add3A_257, %slice3A_249 : vector<64x128xf32>
    %slice3A_260 = vector.extract_strided_slice %add3A_253 {offsets = [0, 127], sizes = [64, 1], strides = [1, 1]} : vector<64x128xf32> to vector<64x1xf32>
    %slice3A_261 = vector.extract_strided_slice %add3A_257 {offsets = [0, 127], sizes = [64, 1], strides = [1, 1]} : vector<64x128xf32> to vector<64x1xf32>
    %slice3A_262 = vector.extract_strided_slice %convert_element_type3A_41 {offsets = [0, 1920], sizes = [64, 128], strides = [1, 1]} : vector<64x2048xf32> to vector<64x128xf32>
    %slice3A_263 = vector.extract_strided_slice %convert_element_type3A_45 {offsets = [0, 1920], sizes = [64, 128], strides = [1, 1]} : vector<64x2048xf32> to vector<64x128xf32>
    %dot_general3A_264 = arith.constant dense<0.000000e+00> : vector<64x128xf32>
    %dot_general3A_265 = tpu.matmul %slice3A_262, %convert_element_type3A_49, %dot_general3A_264 {dimension_numbers = #tpu.dot_dimension_numbers<[1], [0], [0], [1], [0, 0, 1, 1], [], []>, transpose_lhs_hint = false} : vector<64x128xf32>, vector<128x128xf32>, vector<64x128xf32> -> vector<64x128xf32>
    %add3A_266 = vector.broadcast %slice3A_260 : vector<64x1xf32> to vector<64x128xf32>
    %add3A_267 = arith.addf %dot_general3A_265, %add3A_266 : vector<64x128xf32>
    %dot_general3A_268 = arith.constant dense<0.000000e+00> : vector<64x128xf32>
    %dot_general3A_269 = tpu.matmul %slice3A_263, %convert_element_type3A_49, %dot_general3A_268 {dimension_numbers = #tpu.dot_dimension_numbers<[1], [0], [0], [1], [0, 0, 1, 1], [], []>, transpose_lhs_hint = false} : vector<64x128xf32>, vector<128x128xf32>, vector<64x128xf32> -> vector<64x128xf32>
    %add3A_270 = vector.broadcast %slice3A_261 : vector<64x1xf32> to vector<64x128xf32>
    %add3A_271 = arith.addf %dot_general3A_269, %add3A_270 : vector<64x128xf32>
    %sub3A_272 = arith.subf %add3A_267, %slice3A_262 : vector<64x128xf32>
    %sub3A_273 = arith.subf %add3A_271, %slice3A_263 : vector<64x128xf32>
    %slice3A_274 = vector.extract_strided_slice %add3A_267 {offsets = [0, 127], sizes = [64, 1], strides = [1, 1]} : vector<64x128xf32> to vector<64x1xf32>
    %slice3A_275 = vector.extract_strided_slice %add3A_271 {offsets = [0, 127], sizes = [64, 1], strides = [1, 1]} : vector<64x128xf32> to vector<64x1xf32>
    %concatenate3A = tpu.concatenate %sub3A, %sub3A_76, %sub3A_90, %sub3A_104, %sub3A_118, %sub3A_132, %sub3A_146, %sub3A_160, %sub3A_174, %sub3A_188, %sub3A_202, %sub3A_216, %sub3A_230, %sub3A_244, %sub3A_258, %sub3A_272 in 1 : vector<64x128xf32>, vector<64x128xf32>, vector<64x128xf32>, vector<64x128xf32>, vector<64x128xf32>, vector<64x128xf32>, vector<64x128xf32>, vector<64x128xf32>, vector<64x128xf32>, vector<64x128xf32>, vector<64x128xf32>, vector<64x128xf32>, vector<64x128xf32>, vector<64x128xf32>, vector<64x128xf32>, vector<64x128xf32> -> vector<64x2048xf32>
    %concatenate3A_276 = tpu.concatenate %sub3A_63, %sub3A_77, %sub3A_91, %sub3A_105, %sub3A_119, %sub3A_133, %sub3A_147, %sub3A_161, %sub3A_175, %sub3A_189, %sub3A_203, %sub3A_217, %sub3A_231, %sub3A_245, %sub3A_259, %sub3A_273 in 1 : vector<64x128xf32>, vector<64x128xf32>, vector<64x128xf32>, vector<64x128xf32>, vector<64x128xf32>, vector<64x128xf32>, vector<64x128xf32>, vector<64x128xf32>, vector<64x128xf32>, vector<64x128xf32>, vector<64x128xf32>, vector<64x128xf32>, vector<64x128xf32>, vector<64x128xf32>, vector<64x128xf32>, vector<64x128xf32> -> vector<64x2048xf32>
    %add3A_277 = arith.addf %slice3A_274, %slice3A_275 : vector<64x1xf32>
    %convert_element_type3A_278 = arith.fptosi %add3A_277 : vector<64x1xf32> to vector<64x1xi32>
    %add3A_279 = arith.constant 127 : i32
    %add3A_280 = vector.broadcast %add3A_279 : i32 to vector<64x1xi32>
    %add3A_281 = arith.addi %convert_element_type3A_278, %add3A_280 : vector<64x1xi32>
    %jit3A_282 = arith.constant 128 : i32
    %div3A_283 = vector.broadcast %jit3A_282 : i32 to vector<64x1xi32>
    %div3A_284 = arith.divsi %add3A_281, %div3A_283 : vector<64x1xi32>
    %sign3A = arith.constant 0 : i32
    %sign3A_285 = vector.broadcast %sign3A : i32 to vector<64x1xi32>
    %sign3A_286 = arith.cmpi sgt, %add3A_281, %sign3A_285 : vector<64x1xi32>
    %sign3A_287 = arith.extui %sign3A_286 : vector<64x1xi1> to vector<64x1xi32>
    %sign3A_288 = arith.constant 0 : i32
    %sign3A_289 = vector.broadcast %sign3A_288 : i32 to vector<64x1xi32>
    %sign3A_290 = arith.cmpi slt, %add3A_281, %sign3A_289 : vector<64x1xi32>
    %sign3A_291 = arith.extui %sign3A_290 : vector<64x1xi1> to vector<64x1xi32>
    %sign3A_292 = arith.subi %sign3A_287, %sign3A_291 : vector<64x1xi32>
    %sign3A_293 = arith.constant 0 : i32
    %sign3A_294 = arith.cmpi sgt, %jit3A_282, %sign3A_293 : i32
    %sign3A_295 = arith.extui %sign3A_294 : i1 to i32
    %sign3A_296 = arith.constant 0 : i32
    %sign3A_297 = arith.cmpi slt, %jit3A_282, %sign3A_296 : i32
    %sign3A_298 = arith.extui %sign3A_297 : i1 to i32
    %sign3A_299 = arith.subi %sign3A_295, %sign3A_298 : i32
    %ne3A = vector.broadcast %sign3A_299 : i32 to vector<64x1xi32>
    %ne3A_300 = arith.cmpi ne, %sign3A_292, %ne3A : vector<64x1xi32>
    %rem3A = vector.broadcast %jit3A_282 : i32 to vector<64x1xi32>
    %rem3A_301 = arith.remsi %add3A_281, %rem3A : vector<64x1xi32>
    %ne3A_302 = arith.constant 0 : i32
    %ne3A_303 = vector.broadcast %ne3A_302 : i32 to vector<64x1xi32>
    %ne3A_304 = arith.cmpi ne, %rem3A_301, %ne3A_303 : vector<64x1xi32>
    %and3A = arith.andi %ne3A_300, %ne3A_304 : vector<64x1xi1>
    %sub3A_305 = arith.constant 1 : i32
    %sub3A_306 = vector.broadcast %sub3A_305 : i32 to vector<64x1xi32>
    %sub3A_307 = arith.subi %div3A_284, %sub3A_306 : vector<64x1xi32>
    %select_n3A_308 = arith.select %and3A, %sub3A_307, %div3A_284 : vector<64x1xi1>, vector<64x1xi32>
    %mul3A = arith.constant 128 : i32
    %mul3A_309 = vector.broadcast %mul3A : i32 to vector<64x1xi32>
    %mul3A_310 = arith.muli %select_n3A_308, %mul3A_309 : vector<64x1xi32>
    %convert_element_type3A_311 = arith.sitofp %mul3A_310 : vector<64x1xi32> to vector<64x1xf32>
    %iota3A_312 = tpu.iota {dimensions = array<i32: 0>} : vector<64x64xi32>
    %iota3A_313 = tpu.iota {dimensions = array<i32: 1>} : vector<64x64xi32>
    %gt3A = arith.cmpi sgt, %iota3A_312, %iota3A_313 : vector<64x64xi32>
    %convert_element_type3A_314 = arith.extui %gt3A : vector<64x64xi1> to vector<64x64xi32>
    %convert_element_type3A_315 = arith.sitofp %convert_element_type3A_314 : vector<64x64xi32> to vector<64x64xf32>
    %dot_general3A_316 = arith.constant dense<0.000000e+00> : vector<64x1xf32>
    %dot_general3A_317 = tpu.matmul %convert_element_type3A_315, %convert_element_type3A_311, %dot_general3A_316 {dimension_numbers = #tpu.dot_dimension_numbers<[1], [0], [0], [1], [0, 0, 1, 1], [], []>, transpose_lhs_hint = false} : vector<64x64xf32>, vector<64x1xf32>, vector<64x1xf32> -> vector<64x1xf32>
    %mul3A_318 = vector.broadcast %dot_general3A_317 : vector<64x1xf32> to vector<64x2048xf32>
    %mul3A_319 = arith.mulf %mul3A_318, %convert_element_type3A_41 : vector<64x2048xf32>
    %mul3A_320 = arith.mulf %concatenate3A, %convert_element_type3A_41 : vector<64x2048xf32>
    %add3A_321 = arith.addf %mul3A_319, %mul3A_320 : vector<64x2048xf32>
    %reduce_sum3A = arith.constant dense<0.000000e+00> : vector<2048xf32>
    %reduce_sum3A_322 = vector.multi_reduction <add>, %add3A_321, %reduce_sum3A [0] : vector<64x2048xf32> to vector<2048xf32>
    %broadcast_in_dim3A_323 = vector.shape_cast %reduce_sum3A_322 : vector<2048xf32> to vector<1x2048xf32>
    %add3A_324 = arith.addf %dot_general3A_317, %slice3A_274 : vector<64x1xf32>
    %mul3A_325 = vector.broadcast %add3A_324 : vector<64x1xf32> to vector<64x2048xf32>
    %mul3A_326 = arith.mulf %mul3A_325, %convert_element_type3A_45 : vector<64x2048xf32>
    %mul3A_327 = arith.mulf %concatenate3A_276, %convert_element_type3A_45 : vector<64x2048xf32>
    %add3A_328 = arith.addf %mul3A_326, %mul3A_327 : vector<64x2048xf32>
    %reduce_sum3A_329 = arith.constant dense<0.000000e+00> : vector<2048xf32>
    %reduce_sum3A_330 = vector.multi_reduction <add>, %add3A_328, %reduce_sum3A_329 [0] : vector<64x2048xf32> to vector<2048xf32>
    %broadcast_in_dim3A_331 = vector.shape_cast %reduce_sum3A_330 : vector<2048xf32> to vector<1x2048xf32>
    %iota3A_332 = tpu.iota {dimensions = array<i32: 0>} : vector<8x2048xi32>
    %eq3A_333 = arith.constant 0 : i32
    %eq3A_334 = vector.broadcast %eq3A_333 : i32 to vector<8x2048xi32>
    %eq3A_335 = arith.cmpi eq, %iota3A_332, %eq3A_334 : vector<8x2048xi32>
    %eq3A_336 = arith.constant 1 : i32
    %eq3A_337 = vector.broadcast %eq3A_336 : i32 to vector<8x2048xi32>
    %eq3A_338 = arith.cmpi eq, %iota3A_332, %eq3A_337 : vector<8x2048xi32>
    %jit3A_339 = arith.constant 0.000000e+00 : f32
    %broadcast_in_dim3A_340 = vector.shape_cast %broadcast_in_dim3A_331 : vector<1x2048xf32> to vector<1x2048xf32>
    %broadcast_in_dim3A_341 = vector.broadcast %broadcast_in_dim3A_340 : vector<1x2048xf32> to vector<8x2048xf32>
    %broadcast_in_dim3A_342 = vector.broadcast %jit3A_339 : f32 to vector<8x2048xf32>
    %select_n3A_343 = arith.select %eq3A_338, %broadcast_in_dim3A_341, %broadcast_in_dim3A_342 : vector<8x2048xi1>, vector<8x2048xf32>
    %broadcast_in_dim3A_344 = vector.shape_cast %broadcast_in_dim3A_323 : vector<1x2048xf32> to vector<1x2048xf32>
    %broadcast_in_dim3A_345 = vector.broadcast %broadcast_in_dim3A_344 : vector<1x2048xf32> to vector<8x2048xf32>
    %select_n3A_346 = arith.select %eq3A_335, %broadcast_in_dim3A_345, %select_n3A_343 : vector<8x2048xi1>, vector<8x2048xf32>
    %convert_element_type3A_347 = arith.fptosi %select_n3A_346 : vector<8x2048xf32> to vector<8x2048xi32>
    %swap3A = arith.constant 0 : index
    %swap3A_348 = arith.constant 0 : index
    %swap3A_349 = vector.load %arg3[%swap3A, %swap3A_348] : memref<8x2048xi32, #tpu.memory_space<vmem>>, vector<8x2048xi32>
    tpu.vector_store %arg3[%swap3A, %swap3A_348], %convert_element_type3A_347 {strides = array<i32>} : memref<8x2048xi32, #tpu.memory_space<vmem>>, vector<8x2048xi32>,
    %add3A_350 = arith.addf %dot_general3A_317, %convert_element_type3A_311 : vector<64x1xf32>
    %iota3A_351 = tpu.iota {dimensions = array<i32: 1>} : vector<64x128xi32>
    %convert_element_type3A_352 = arith.sitofp %iota3A_351 : vector<64x128xi32> to vector<64x128xf32>
    %mul3A_353 = arith.constant 1.280000e+02 : f32
    %mul3A_354 = vector.broadcast %mul3A_353 : f32 to vector<64x128xf32>
    %mul3A_355 = arith.mulf %convert_element_type3A_352, %mul3A_354 : vector<64x128xf32>
    %le3A_356 = vector.broadcast %add3A_350 : vector<64x1xf32> to vector<64x128xf32>
    %le3A_357 = arith.cmpf ole, %le3A_356, %mul3A_355 : vector<64x128xf32>
    %convert_element_type3A_358 = arith.extui %le3A_357 : vector<64x128xi1> to vector<64x128xi32>
    %convert_element_type3A_359 = arith.sitofp %convert_element_type3A_358 : vector<64x128xi32> to vector<64x128xf32>
    %reduce_sum3A_360 = arith.constant dense<0.000000e+00> : vector<128xf32>
    %reduce_sum3A_361 = vector.multi_reduction <add>, %convert_element_type3A_359, %reduce_sum3A_360 [0] : vector<64x128xf32> to vector<128xf32>
    %broadcast_in_dim3A_362 = vector.shape_cast %reduce_sum3A_361 : vector<128xf32> to vector<1x128xf32>
    %min3A = arith.constant 6.300000e+01 : f32
    %min3A_363 = vector.broadcast %min3A : f32 to vector<1x128xf32>
    %min3A_364 = arith.minimumf %broadcast_in_dim3A_362, %min3A_363 : vector<1x128xf32>
    %iota3A_365 = tpu.iota {dimensions = array<i32: 0>} : vector<8x128xi32>
    %eq3A_366 = arith.constant 0 : i32
    %eq3A_367 = vector.broadcast %eq3A_366 : i32 to vector<8x128xi32>
    %eq3A_368 = arith.cmpi eq, %iota3A_365, %eq3A_367 : vector<8x128xi32>
    %jit3A_369 = arith.constant 0.000000e+00 : f32
    %broadcast_in_dim3A_370 = vector.shape_cast %min3A_364 : vector<1x128xf32> to vector<1x128xf32>
    %broadcast_in_dim3A_371 = vector.broadcast %broadcast_in_dim3A_370 : vector<1x128xf32> to vector<8x128xf32>
    %broadcast_in_dim3A_372 = vector.broadcast %jit3A_369 : f32 to vector<8x128xf32>
    %select_n3A_373 = arith.select %eq3A_368, %broadcast_in_dim3A_371, %broadcast_in_dim3A_372 : vector<8x128xi1>, vector<8x128xf32>
    %convert_element_type3A_374 = arith.fptosi %select_n3A_373 : vector<8x128xf32> to vector<8x128xi32>
    %swap3A_375 = arith.constant 0 : index
    %swap3A_376 = arith.constant 0 : index
    %swap3A_377 = vector.load %arg4[%swap3A_375, %swap3A_376] : memref<8x128xi32, #tpu.memory_space<vmem>>, vector<8x128xi32>
    tpu.vector_store %arg4[%swap3A_375, %swap3A_376], %convert_element_type3A_374 {strides = array<i32>} : memref<8x128xi32, #tpu.memory_space<vmem>>, vector<8x128xi32>,
    return
  }
}

</mosaic_0001>

<sc_bundles>
// kernel: kernel.10.cloned.1.call-start
scs
__scs_entry_jumppad:
0x0: {  	(pc) =	sbr.rel $0x88, $3  }
0x1: {  	(tag) =	ssettag $0x0;
	lr =	simm.s32 $0x1  }
0x2: {  	[smem:$0x3F98] =	sst lr;
	_ =	strace $0xD0000000  }
0x3: {  	_ = 	snop  }
0x4: {  	_ = 	snop  }
0x5: {  	_ = 	snop  }
0x6: {  	_ = 	snop  }
0x7: {  	_ = 	snop  }
__scs_overlays_trampoline_lowered:
0x8: {  	[smem:$0x3FA7] =	sst s0  }
0x9: {  	[smem:$0x3FA8] =	sst s1  }
0xa: {  	[smem:$0x3FA9] =	sst s2  }
0xb: {  	[smem:$0x3FAA] =	sst s3  }
0xc: {  	[smem:$0x3FAB] =	sst s4  }
0xd: {  	[smem:$0x3FAC] =	sst s5  }
0xe: {  	[smem:$0x3FAD] =	sst s6  }
0xf: {  	[smem:$0x3FAE] =	sst s7  }
0x10: {  	[smem:$0x3FAF] =	sst s8  }
0x11: {  	[smem:$0x3FB0] =	sst s9;
	s0 =	simm.s32 @!p0 $0x0  }
0x12: {  	s1 =	sld [smem:$0x3F96];
	s0 =	simm.s32 @p0 $0x1  }
0x13: {  	[smem:$0x3FB1] =	sst s0;
	s0 =	simm.s32 @!p1 $0x0  }
0x14: {  	s2 =	sld [smem:$0x3F95];
	s0 =	simm.s32 @p1 $0x1  }
0x15: {  	[smem:$0x3FB2] =	sst s0;
	s0 =	simm.s32 @!p2 $0x0  }
0x16: {  	s3 =	sld [smem:$0x3FDB];
	s0 =	simm.s32 @p2 $0x1  }
0x17: {  	s4 =	simm.s32 $0x1BF5;
	[smem:$0x3FB4] =	sst s0  }
0x18: {  	s0 =	sld [smem:$0x3F97];
	_ =	swait.ge [sflag:s4], $0x0  }
0x19: {  	s7 =	sld [smem:$0x3F98]  }
0x1a: {  	s8 =	sadd.s32 $0xFFFFE003, lr  }
0x1b: {  	s9 =	sadd.s32 $0xFFFFFEF7, lr;
	s5 =	simm.s32 $0xFFFFFFFF;
	p2 =	slt.u32 s8, $0xFFFFF086  }
0x1c: {  	p1 =	slt.u32 s9, $0xF7A;
	s5 =	simm.s32 @!p2 $0x0  }
0x1d: {  	s5 =	simm.s32 @p1 $0x1;
	p0 =	seq.s32 s7, s2  }
0x1e: {  	s7 =	smul.u32 @!p0 $0xF7A, s2;
	p2 =	seq.s32 @!p0 s5, $0x0  }
0x1f: {  	s9 =	smul.u32 $0xF7A, s1;
	s8 =	simm.s32 @!p0 $0x1BF5;
	p2 =	por !p2, p0  }
0x20: {  	[sflag:s8] =	ssyncset.s32 @!p0 $0xFFFFF086;
	s6 =	sadd.s32 @!p0 s3, s7;
	s7 =	simm.s32 @!p0 $0x108  }
0x21: {  	s3 =	sadd.s32 s3, s9;
	s6 =	sadd.s32 @!p0 $0x88, s6;
	s7 =	simm.s32 @p2 $0x1082  }
0x22: {  	[simem:s7], [sflag:s8] =	dma.local @!p0 [hbm:s6], $0xF7A  }
0x23: {  	s9 =	sor.u32 $0xD0000000, s2;
	s6 =	simm.s32 $0x108;
	_ =	swait.ge @!p0 [sflag:s8], $0x0  }
0x24: {  	s3 =	sadd.s32 $0x88, s3;
	s6 =	simm.s32 @!p1 $0x1082;
	[sflag:s4] =	ssyncset.s32 $0xFFFFF086  }
0x25: {  	[simem:s6], [sflag:s4] =	dma.local [hbm:s3], $0xF7A  }
0x26: {  	[smem:$0x3F98] =	sst s1;
	(tag) =	ssettag s2;
	_ =	strace s9  }
0x27: {  	s1 =	sld [smem:$0x3FA8]  }
0x28: {  	s2 =	sld [smem:$0x3FA9]  }
0x29: {  	s4 =	sld [smem:$0x3FAB]  }
0x2a: {  	p0 =	seq.s32 s5, $0x0;
	s5 =	sld [smem:$0x3FAC]  }
0x2b: {  	s6 =	sld [smem:$0x3FAD]  }
0x2c: {  	s7 =	sld [smem:$0x3FAE]  }
0x2d: {  	s3 =	simm.s32 $0x108;
	s8 =	sld [smem:$0x3FAF]  }
0x2e: {  	s3 =	simm.s32 @!p0 $0x1082;
	s9 =	sld [smem:$0x3FB0]  }
0x2f: {  	lr =	sadd.s32 s0, s3;
	s0 =	sld [smem:$0x3FA7]  }
0x30: {  	s3 =	sld [smem:$0x3FAA]  }
0x31: {  	[smem:$0x3FB3] =	sst s10  }
0x32: {  	s10 =	sld [smem:$0x3FB1];
	_ =	sdelay $0x3  }
0x33: {  	p0 =	seq.s32 s10, $0x1;
	s10 =	sld [smem:$0x3FB3];
	_ =	sdelay $0x3  }
0x34: {  	[smem:$0x3FB3] =	sst s10  }
0x35: {  	s10 =	sld [smem:$0x3FB2];
	_ =	sdelay $0x3  }
0x36: {  	p1 =	seq.s32 s10, $0x1;
	s10 =	sld [smem:$0x3FB3];
	_ =	sdelay $0x3  }
0x37: {  	[smem:$0x3FB3] =	sst s10  }
0x38: {  	s10 =	sld [smem:$0x3FB4]  }
0x39: {  	_ = 	snop;
	(pc) =	sbr.ind lr, $3  }
0x3a: {  	_ = 	snop  }
0x3b: {  	_ = 	snop  }
0x3c: {  	p2 =	seq.s32 s10, $0x1;
	s10 =	sld [smem:$0x3FB3]  }
0x3d: {  	_ =	shalt  }
0x3e: {  	_ =	shalt  }
0x3f: {  	_ =	shalt  }
0x40: {  	_ =	shalt  }
0x41: {  	_ =	shalt  }
0x42: {  	_ =	shalt  }
0x43: {  	_ =	shalt  }
0x44: {  	_ =	shalt  }
0x45: {  	_ =	shalt  }
0x46: {  	_ =	shalt  }
0x47: {  	_ =	shalt  }
0x48: {  	_ =	shalt  }
0x49: {  	_ =	shalt  }
0x4a: {  	_ =	shalt  }
0x4b: {  	_ =	shalt  }
0x4c: {  	_ =	shalt  }
0x4d: {  	_ =	shalt  }
0x4e: {  	_ =	shalt  }
0x4f: {  	_ =	shalt  }
0x50: {  	_ =	shalt  }
0x51: {  	_ =	shalt  }
0x52: {  	_ =	shalt  }
0x53: {  	_ =	shalt  }
0x54: {  	_ =	shalt  }
0x55: {  	_ =	shalt  }
0x56: {  	_ =	shalt  }
0x57: {  	_ =	shalt  }
0x58: {  	_ =	shalt  }
0x59: {  	_ =	shalt  }
0x5a: {  	_ =	shalt  }
0x5b: {  	_ =	shalt  }
0x5c: {  	_ =	shalt  }
0x5d: {  	_ =	shalt  }
0x5e: {  	_ =	shalt  }
0x5f: {  	_ =	shalt  }
0x60: {  	_ =	shalt  }
0x61: {  	_ =	shalt  }
0x62: {  	_ =	shalt  }
0x63: {  	_ =	shalt  }
0x64: {  	_ =	shalt  }
0x65: {  	_ =	shalt  }
0x66: {  	_ =	shalt  }
0x67: {  	_ =	shalt  }
0x68: {  	_ =	shalt  }
0x69: {  	_ =	shalt  }
0x6a: {  	_ =	shalt  }
0x6b: {  	_ =	shalt  }
0x6c: {  	_ =	shalt  }
0x6d: {  	_ =	shalt  }
0x6e: {  	_ =	shalt  }
0x6f: {  	_ =	shalt  }
0x70: {  	_ =	shalt  }
0x71: {  	_ =	shalt  }
0x72: {  	_ =	shalt  }
0x73: {  	_ =	shalt  }
0x74: {  	_ =	shalt  }
0x75: {  	_ =	shalt  }
0x76: {  	_ =	shalt  }
0x77: {  	_ =	shalt  }
0x78: {  	_ =	shalt  }
0x79: {  	_ =	shalt  }
0x7a: {  	_ =	shalt  }
0x7b: {  	_ =	shalt  }
0x7c: {  	_ =	shalt  }
0x7d: {  	_ =	shalt  }
0x7e: {  	_ =	shalt  }
0x7f: {  	_ =	shalt  }
0x80: {  	_ =	shalt  }
0x81: {  	_ =	shalt  }
0x82: {  	_ =	shalt  }
0x83: {  	_ =	shalt  }
0x84: {  	_ =	shalt  }
0x85: {  	_ =	shalt  }
0x86: {  	_ =	shalt  }
0x87: {  	_ =	shalt  }
.Lfunc_end0:
.L_simem_size_0:
called_computation.1_lowered:
.L_overlay_start_0:
0x88: {  	s2 =	sld [smem:$0x3FD9]  }
0x89: {  	s3 =	sld [smem:$0x3FFE];
	_ =	sdelay $0x1  }
0x8a: {  	s1 =	srdreg.scid  }
0x8b: {  	s0 =	sand.u32 $0x1, s1  }
0x8c: {  	s17 =	sshll.u32 s0, $0xA;
	s2 =	sadd.s32 s3, s2  }
0x8d: {  	s2 =	sadd.s32 s2, s17  }
0x8e: {  	[smem:$0x3FBF] =	sst s2  }
0x8f: {  	_ = 	snop  }
0x90: {  	s2 =	sld [smem:$0x3FD0];
	(tm) =	ssettm $0x1  }
0x91: {  	s18 =	sld [smem:$0x3FFB];
	_ =	sdelay $0x3  }
0x92: {  	_ =	strace s18  }
0x93: {  	s3 =	sld [smem:$0x3FFC];
	_ =	sdelay $0x3  }
0x94: {  	_ =	strace s3  }
0x95: {  	s3 =	sld [smem:$0x3FFD];
	_ =	sdelay $0x3  }
0x96: {  	_ =	strace s3  }
0x97: {  	_ =	strace $0x8FFFFFFF  }
0x98: {  	s19 =	sld [smem:$0x3FDB];
	_ =	sdelay $0x1  }
0x99: {  	s4 =	simm.s32 $_scs_section_size  }
0x9a: {  	s5 =	simm.s32 $_size__tile_overlayer_lowered;
	s6 =	simm.s32 $_tile_overlayer_lowered  }
0x9b: {  	s22 =	simm.s32 $0x1BFF;
	s21 =	sshll.u32 s6, $0x1;
	s3 =	sadd.s32 s4, s19  }
0x9c: {  	s7 =	simm.s32 $0x0;
	s20 =	sshll.u32 s5, $0x1;
	s5 =	sadd.s32 s21, s3  }
0x9d: {  	[timem:s7], [sflag:s22] =	dma.local [hbm:s5], s20  }
0x9e: {  	_ =	swait.ge [sflag:s22], s20  }
0x9f: {  	s4 =	ssub.s32 $0x0, s20;
	[sflag:s22] =	ssyncset.done $0x0  }
0xa0: {  	[sflag:s22] =	ssyncadd.s32 s4;
	_ =	sdelay $0x1  }
0xa1: {  	s23 =	simm.s32 $0x1B8B  }
0xa2: {  	_ =	swait.ge [sflag:s23], $0x1  }
0xa3: {  	[sflag:s23] =	ssyncset.done $0x0  }
0xa4: {  	s25 =	simm.s32 $0x1B8E;
	s24 =	sld [smem:$0x3FFE];
	[sflag:s23] =	ssyncadd.s32 $0xFFFFFFFF  }
0xa5: {  	s26 =	simm.s32 $execute0_lowered;
	[smem:$0x3FD2] =	sst s25  }
0xa6: {  	s5 =	sshll.u32 s26, $0x1;
	_ =	strace $0x80000049;
	[dreg:$0x1] =	wrdreg $0xFFFFFFFF  }
0xa7: {  	s28 =	simm.s32 $_size_execute0_lowered;
	s3 =	sadd.s32 s3, s5;
	[dreg:$0x0] =	wrdreg $0x0  }
0xa8: {  	s5 =	sshll.u32 s28, $0x1;
	[dreg:$0x2] =	wrdreg s3  }
0xa9: {  	[dreg:$0x3] =	wrdreg s5  }
0xaa: {  	[dreg:$0x4] =	wrdreg $0xC0  }
0xab: {  	_ =	task [dreg:s7], $0x5FFFF  }
0xac: {  	[dreg:$0x1] =	wrdreg $0xFFFFFFFF  }
0xad: {  	[dreg:$0x0] =	wrdreg $0x60  }
0xae: {  	[dreg:$0x2] =	wrdreg s24  }
0xaf: {  	[dreg:$0x3] =	wrdreg s2  }
0xb0: {  	[dreg:$0x4] =	wrdreg $0x9  }
0xb1: {  	_ =	task.clear_ibuf [dreg:s7], $0x5FFFF;
	_ =	strace $0x90000049  }
0xb2: {  	s29 =	simm.s32 $0x9;
	_ =	strace $0x8000004B  }
0xb3: {  	_ =	swait.ge [sflag:s29], $0x1  }
0xb4: {  	[sflag:s29] =	ssyncadd.s32 $0xFFFFFFFF  }
0xb5: {  	_ =	strace $0x9000004B  }
0xb6: {  	_ =	sfence  }
0xb7: {  	s30 =	sld [smem:$0x0];
	_ =	sdelay $0x2  }
0xb8: {  	s31 =	sshll.u32 s1, $0xD;
	s1 =	sshrl.u32 s1, $0x2  }
0xb9: {  	s3 =	sand.u32 $0x4000, s31;
	s1 =	sadd.s32 s1, s30  }
0xba: {  	s0 =	sor.u32 s3, s0;
	s1 =	sshll.u32 s1, $0x11  }
0xbb: {  	s0 =	sor.u32 s1, s0  }
0xbc: {  	s0 =	sadd.s32 $0x8F2B, s0  }
0xbd: {  	[sflag:s0] =	ssyncadd.remote.s32 $0x1  }
0xbe: {  	_ =	sfence.sel $0xFFFF  }
0xbf: {  	[dreg:$0x0] =	wrdreg $0xFFFFFFFF;
	(pc) =	sbr.abs _section_cstart, $3  }
0xc0: {  	[dreg:$0x1] =	wrdreg $0xFFFFFFFF  }
0xc1: {  	_ =	task.clear_ibuf [dreg:s7], $0x2FFFF;
	_ =	strace $0x9FFFFFFF  }
0xc2: {  	(tm) =	ssettm $0x7FFFFFFF  }
0xc3: {  	_ =	shalt  }
tec
execute0_lowered:
.L_overlay_start_1:
0x0: {  	(tag) =	ssettag $0x1  }
0x1: {  	s0 =	srdreg.scid  }
0x2: {  	s1 =	rddreg [dreg:$0x0];
	s2 =	stileid.u32  }
0x3: {  	s8 =	rddreg [dreg:$0x1];
	s3 =	simm.s32 $0x0;
	s12 =	simm.s32 $0x2  }
0x4: {  	s23 =	simm.s32 $0x1;
	s25 =	simm.s32 $0x80;
	s26 =	simm.s32 $0x400  }
0x5: {  	s28 =	simm.s32 $0x1000;
	s29 =	simm.s32 $0x1800;
	s30 =	simm.s32 $0x2000  }
0x6: {  	s31 =	simm.s32 $0x2800;
	s10 =	simm.s32 $0x4800;
	s11 =	simm.s32 $0x5000  }
0x7: {  	s14 =	simm.s32 $0x5800;
	s15 =	simm.s32 $0x6000;
	s16 =	simm.s32 $0x6800  }
0x8: {  	s17 =	simm.s32 $0x7000;
	s18 =	simm.s32 $0x7800;
	s19 =	simm.s32 $0x8000  }
0x9: {  	s20 =	simm.s32 $0x8800;
	s21 =	simm.s32 $0x9000;
	s22 =	simm.s32 $0x9800  }
0xa: {  	s13 =	simm.s32 $0xA000;
	s0 =	sand.u32 $0x1, s0;
	s2 =	sshll.u32 s2, $0x7  }
0xb: {  	[smem:$0x7FF] =	sst s3;
	s5 =	sadd.s32 $0x182000, s1;
	s4 =	sshll.u32 s0, $0x6  }
0xc: {  	s8 =	sadd.s32 $0x10, s8;
	s0 =	ssub.s32 $0x2, s0;
	s4 =	sor.u32 s4, s2  }
0xd: {  	_ =	strace $0x8000004A;
	[dreg:$0x4] =	wrdreg s8;
	s2 =	sshll.u32 s4, $0x7  }
0xe: {  	s8 =	sadd.s32 $0x182300, s1;
	s6 =	sshrl.u32 s0, $0x1;
	s2 =	sadd.s32 s2, s1  }
0xf: {  	v2 =	vlaneseq.u32;
	s0 =	ssub.s32 s0, s6;
	s6 =	sadd.s32 $0x182100, s1;
	s7 =	sadd.s32 $0x2000, s2  }
0x10: {  	vm0 =	vmmov $0xffff;
	v1 =	vshrl.u32 v2, $0x3;
	s9 =	smax.u32 s0, $0x1;
	s2 =	sadd.s32 $0x42000, s2;
	[dreg:$0x3] =	wrdreg s7  }
0x11: {  	v0 =	vand.u32 $0x7, v2;
	v2 =	vor.u32 $0x8, v2;
	v1 =	vmul.u32 $0x8, v1;
	s0 =	simm.s32 $0x800;
	s7 =	sadd.s32 $0x182200, s1;
	[dreg:$0x5] =	wrdreg s2  }
.LBB2_1:
0x12: {  	s24 =	rddreg [dreg:$0x1]  }
0x13: {  	[tilespmem:s3], [sflag:$0x2] =	stream.strided.gather [hbm4b:s24+s25], $0x800, s26, s25, $0x38;
	[tilespmem:$0x10800] =	vst v63  }
0x14: {  	_ =	swait.ge [sflag:s12], $0x800  }
0x15: {  	[sflag:s12] =	ssyncset.done $0x0  }
0x16: {  	[sflag:s12] =	ssyncadd.s32 $0xFFFFF800  }
0x17: {  	v3 =	vld [tilespmem:s4+$0x0];
	_ =	sdelay $0x4  }
0x18: {  	v4 =	vshll.u32 v3, $0x3  }
0x19: {  	v3 =	vand.u32 $0x7, v3;
	v4 =	vand.u32 $0xFFFFFFC0, v4  }
0x1a: {  	v3 =	vor.u32 v3, v4  }
0x1b: {  	v4 =	vperm.xlane v3, v0;
	_ =	sdelay $0x1  }
0x1c: {  	v4 =	vadd.s32 v1, v4;
	_ =	sdelay $0x4  }
0x1d: {  	[tilespmem:s0], [sflag:$0x1] =	stream.indirect_vreg.gather [hbm4b:s5+s3], $0x80, v4, vm0, $0xb8;
	[tilespmem:$0x10800] =	vst v63  }
0x1e: {  	v3 =	vperm.xlane v3, v2  }
0x1f: {  	[tilespmem:s28], [sflag:$0x1] =	stream.indirect_vreg.gather [hbm4b:s6+s3], $0x80, v4, vm0, $0xb8;
	[tilespmem:$0x10800] =	vst v63  }
0x20: {  	v3 =	vadd.s32 v1, v3  }
0x21: {  	[tilespmem:s29], [sflag:$0x1] =	stream.indirect_vreg.gather [hbm4b:s7+s3], $0x80, v4, vm0, $0xb8;
	[tilespmem:$0x10800] =	vst v63  }
0x22: {  	_ = 	snop  }
0x23: {  	[tilespmem:s30], [sflag:$0x1] =	stream.indirect_vreg.gather [hbm4b:s8+s3], $0x80, v4, vm0, $0xb8;
	[tilespmem:$0x10800] =	vst v63  }
0x24: {  	_ = 	snop  }
0x25: {  	[tilespmem:s31], [sflag:$0x1] =	stream.indirect_vreg.gather [hbm4b:s5+s3], $0x80, v3, vm0, $0xb8;
	[tilespmem:$0x10800] =	vst v63  }
0x26: {  	s1 =	simm.s32 $0x3000  }
0x27: {  	[tilespmem:s1], [sflag:$0x1] =	stream.indirect_vreg.gather [hbm4b:s6+s3], $0x80, v3, vm0, $0xb8;
	[tilespmem:$0x10800] =	vst v63  }
0x28: {  	s2 =	simm.s32 $0x3800  }
0x29: {  	[tilespmem:s2], [sflag:$0x1] =	stream.indirect_vreg.gather [hbm4b:s7+s3], $0x80, v3, vm0, $0xb8;
	[tilespmem:$0x10800] =	vst v63  }
0x2a: {  	s2 =	simm.s32 $0x4000  }
0x2b: {  	[tilespmem:s2], [sflag:$0x1] =	stream.indirect_vreg.gather [hbm4b:s8+s3], $0x80, v3, vm0, $0xb8;
	[tilespmem:$0x10800] =	vst v63  }
0x2c: {  	v3 =	vld [tilespmem:s4+$0x10];
	_ =	sdelay $0x4  }
0x2d: {  	v57 =	vshll.u32 v3, $0x3  }
0x2e: {  	v3 =	vand.u32 $0x7, v3;
	v4 =	vand.u32 $0xFFFFFFC0, v57  }
0x2f: {  	v3 =	vor.u32 v3, v4  }
0x30: {  	v4 =	vperm.xlane v3, v0;
	_ =	sdelay $0x1  }
0x31: {  	v4 =	vadd.s32 v1, v4;
	_ =	sdelay $0x4  }
0x32: {  	[tilespmem:s10], [sflag:$0x1] =	stream.indirect_vreg.gather [hbm4b:s5+s3], $0x80, v4, vm0, $0xb8;
	[tilespmem:$0x10800] =	vst v63  }
0x33: {  	v3 =	vperm.xlane v3, v2  }
0x34: {  	[tilespmem:s11], [sflag:$0x1] =	stream.indirect_vreg.gather [hbm4b:s6+s3], $0x80, v4, vm0, $0xb8;
	[tilespmem:$0x10800] =	vst v63  }
0x35: {  	v3 =	vadd.s32 v1, v3  }
0x36: {  	[tilespmem:s14], [sflag:$0x1] =	stream.indirect_vreg.gather [hbm4b:s7+s3], $0x80, v4, vm0, $0xb8;
	[tilespmem:$0x10800] =	vst v63  }
0x37: {  	_ = 	snop  }
0x38: {  	[tilespmem:s15], [sflag:$0x1] =	stream.indirect_vreg.gather [hbm4b:s8+s3], $0x80, v4, vm0, $0xb8;
	[tilespmem:$0x10800] =	vst v63  }
0x39: {  	_ = 	snop  }
0x3a: {  	[tilespmem:s16], [sflag:$0x1] =	stream.indirect_vreg.gather [hbm4b:s5+s3], $0x80, v3, vm0, $0xb8;
	[tilespmem:$0x10800] =	vst v63  }
0x3b: {  	_ = 	snop  }
0x3c: {  	[tilespmem:s17], [sflag:$0x1] =	stream.indirect_vreg.gather [hbm4b:s6+s3], $0x80, v3, vm0, $0xb8;
	[tilespmem:$0x10800] =	vst v63  }
0x3d: {  	_ = 	snop  }
0x3e: {  	[tilespmem:s18], [sflag:$0x1] =	stream.indirect_vreg.gather [hbm4b:s7+s3], $0x80, v3, vm0, $0xb8;
	[tilespmem:$0x10800] =	vst v63  }
0x3f: {  	_ = 	snop  }
0x40: {  	[tilespmem:s19], [sflag:$0x1] =	stream.indirect_vreg.gather [hbm4b:s8+s3], $0x80, v3, vm0, $0xb8;
	[tilespmem:$0x10800] =	vst v63  }
0x41: {  	v3 =	vld [tilespmem:s4+$0x20];
	_ =	sdelay $0x4  }
0x42: {  	v58 =	vshll.u32 v3, $0x3  }
0x43: {  	v3 =	vand.u32 $0x7, v3;
	v4 =	vand.u32 $0xFFFFFFC0, v58  }
0x44: {  	v3 =	vor.u32 v3, v4  }
0x45: {  	v4 =	vperm.xlane v3, v0;
	_ =	sdelay $0x1  }
0x46: {  	v4 =	vadd.s32 v1, v4;
	_ =	sdelay $0x4  }
0x47: {  	[tilespmem:s20], [sflag:$0x1] =	stream.indirect_vreg.gather [hbm4b:s5+s3], $0x80, v4, vm0, $0xb8;
	[tilespmem:$0x10800] =	vst v63  }
0x48: {  	v3 =	vperm.xlane v3, v2  }
0x49: {  	[tilespmem:s21], [sflag:$0x1] =	stream.indirect_vreg.gather [hbm4b:s6+s3], $0x80, v4, vm0, $0xb8;
	[tilespmem:$0x10800] =	vst v63  }
0x4a: {  	v3 =	vadd.s32 v1, v3  }
0x4b: {  	[tilespmem:s22], [sflag:$0x1] =	stream.indirect_vreg.gather [hbm4b:s7+s3], $0x80, v4, vm0, $0xb8;
	[tilespmem:$0x10800] =	vst v63  }
0x4c: {  	_ = 	snop  }
0x4d: {  	[tilespmem:s13], [sflag:$0x1] =	stream.indirect_vreg.gather [hbm4b:s8+s3], $0x80, v4, vm0, $0xb8;
	[tilespmem:$0x10800] =	vst v63  }
0x4e: {  	s24 =	simm.s32 $0xA800  }
0x4f: {  	[tilespmem:s24], [sflag:$0x1] =	stream.indirect_vreg.gather [hbm4b:s5+s3], $0x80, v3, vm0, $0xb8;
	[tilespmem:$0x10800] =	vst v63  }
0x50: {  	s24 =	simm.s32 $0xB000  }
0x51: {  	[tilespmem:s24], [sflag:$0x1] =	stream.indirect_vreg.gather [hbm4b:s6+s3], $0x80, v3, vm0, $0xb8;
	[tilespmem:$0x10800] =	vst v63  }
0x52: {  	s24 =	simm.s32 $0xB800  }
0x53: {  	[tilespmem:s24], [sflag:$0x1] =	stream.indirect_vreg.gather [hbm4b:s7+s3], $0x80, v3, vm0, $0xb8;
	[tilespmem:$0x10800] =	vst v63  }
0x54: {  	s24 =	simm.s32 $0xC000  }
0x55: {  	[tilespmem:s24], [sflag:$0x1] =	stream.indirect_vreg.gather [hbm4b:s8+s3], $0x80, v3, vm0, $0xb8;
	[tilespmem:$0x10800] =	vst v63  }
0x56: {  	v3 =	vld [tilespmem:s4+$0x30];
	_ =	sdelay $0x4  }
0x57: {  	v59 =	vshll.u32 v3, $0x3  }
0x58: {  	v3 =	vand.u32 $0x7, v3;
	v4 =	vand.u32 $0xFFFFFFC0, v59  }
0x59: {  	v3 =	vor.u32 v3, v4  }
0x5a: {  	v4 =	vperm.xlane v3, v0;
	_ =	sdelay $0x1  }
0x5b: {  	v4 =	vadd.s32 v1, v4;
	_ =	sdelay $0x3  }
0x5c: {  	s24 =	simm.s32 $0xC800  }
0x5d: {  	[tilespmem:s24], [sflag:$0x1] =	stream.indirect_vreg.gather [hbm4b:s5+s3], $0x80, v4, vm0, $0xb8;
	[tilespmem:$0x10800] =	vst v63  }
0x5e: {  	v3 =	vperm.xlane v3, v2;
	s24 =	simm.s32 $0xD000  }
0x5f: {  	[tilespmem:s24], [sflag:$0x1] =	stream.indirect_vreg.gather [hbm4b:s6+s3], $0x80, v4, vm0, $0xb8;
	[tilespmem:$0x10800] =	vst v63  }
0x60: {  	v3 =	vadd.s32 v1, v3;
	s24 =	simm.s32 $0xD800  }
0x61: {  	[tilespmem:s24], [sflag:$0x1] =	stream.indirect_vreg.gather [hbm4b:s7+s3], $0x80, v4, vm0, $0xb8;
	[tilespmem:$0x10800] =	vst v63  }
0x62: {  	s24 =	simm.s32 $0xE000  }
0x63: {  	[tilespmem:s24], [sflag:$0x1] =	stream.indirect_vreg.gather [hbm4b:s8+s3], $0x80, v4, vm0, $0xb8;
	[tilespmem:$0x10800] =	vst v63  }
0x64: {  	s24 =	simm.s32 $0xE800  }
0x65: {  	[tilespmem:s24], [sflag:$0x1] =	stream.indirect_vreg.gather [hbm4b:s5+s3], $0x80, v3, vm0, $0xb8;
	[tilespmem:$0x10800] =	vst v63  }
0x66: {  	s24 =	simm.s32 $0xF000  }
0x67: {  	[tilespmem:s24], [sflag:$0x1] =	stream.indirect_vreg.gather [hbm4b:s6+s3], $0x80, v3, vm0, $0xb8;
	[tilespmem:$0x10800] =	vst v63  }
0x68: {  	s24 =	simm.s32 $0xF800  }
0x69: {  	[tilespmem:s24], [sflag:$0x1] =	stream.indirect_vreg.gather [hbm4b:s7+s3], $0x80, v3, vm0, $0xb8;
	[tilespmem:$0x10800] =	vst v63  }
0x6a: {  	s24 =	simm.s32 $0x10000  }
0x6b: {  	[tilespmem:s24], [sflag:$0x1] =	stream.indirect_vreg.gather [hbm4b:s8+s3], $0x80, v3, vm0, $0xb8;
	[tilespmem:$0x10800] =	vst v63  }
0x6c: {  	_ =	swait.ge [sflag:s23], $0x10000  }
0x6d: {  	[sflag:s23] =	ssyncset.done $0x0  }
0x6e: {  	s24 =	rddreg [dreg:$0x3];
	[sflag:s23] =	ssyncadd.s32 $0xFFFF0000  }
0x6f: {  	[hbm4b:s24+s3] =	stream.linear.scatter [tilespmem:s0], [sflag:$0x2], $0x10000, $0x38;
	[tilespmem:$0x10800] =	vst v63  }
0x70: {  	_ =	swait.ge [sflag:s12], $0x10000  }
0x71: {  	[sflag:s12] =	ssyncset.done $0x0  }
0x72: {  	s24 =	rddreg [dreg:$0x4];
	[sflag:s12] =	ssyncadd.s32 $0xFFFF0000  }
0x73: {  	[tilespmem:s3], [sflag:$0x2] =	stream.strided.gather [hbm4b:s24+s25], $0x800, s26, s25, $0x38;
	[tilespmem:$0x10800] =	vst v63  }
0x74: {  	_ =	swait.ge [sflag:s12], $0x800  }
0x75: {  	[sflag:s12] =	ssyncset.done $0x0  }
0x76: {  	[sflag:s12] =	ssyncadd.s32 $0xFFFFF800  }
0x77: {  	v3 =	vld [tilespmem:s4+$0x0];
	_ =	sdelay $0x4  }
0x78: {  	v60 =	vshll.u32 v3, $0x3  }
0x79: {  	v3 =	vand.u32 $0x7, v3;
	v4 =	vand.u32 $0xFFFFFFC0, v60  }
0x7a: {  	v3 =	vor.u32 v3, v4  }
0x7b: {  	v4 =	vperm.xlane v3, v0;
	_ =	sdelay $0x1  }
0x7c: {  	v4 =	vadd.s32 v1, v4;
	_ =	sdelay $0x4  }
0x7d: {  	[tilespmem:s0], [sflag:$0x1] =	stream.indirect_vreg.gather [hbm4b:s5+s3], $0x80, v4, vm0, $0xb8;
	[tilespmem:$0x10800] =	vst v63  }
0x7e: {  	v3 =	vperm.xlane v3, v2  }
0x7f: {  	[tilespmem:s28], [sflag:$0x1] =	stream.indirect_vreg.gather [hbm4b:s6+s3], $0x80, v4, vm0, $0xb8;
	[tilespmem:$0x10800] =	vst v63  }
0x80: {  	v3 =	vadd.s32 v1, v3  }
0x81: {  	[tilespmem:s29], [sflag:$0x1] =	stream.indirect_vreg.gather [hbm4b:s7+s3], $0x80, v4, vm0, $0xb8;
	[tilespmem:$0x10800] =	vst v63  }
0x82: {  	_ = 	snop  }
0x83: {  	[tilespmem:s30], [sflag:$0x1] =	stream.indirect_vreg.gather [hbm4b:s8+s3], $0x80, v4, vm0, $0xb8;
	[tilespmem:$0x10800] =	vst v63  }
0x84: {  	_ = 	snop  }
0x85: {  	[tilespmem:s31], [sflag:$0x1] =	stream.indirect_vreg.gather [hbm4b:s5+s3], $0x80, v3, vm0, $0xb8;
	[tilespmem:$0x10800] =	vst v63  }
0x86: {  	_ = 	snop  }
0x87: {  	[tilespmem:s1], [sflag:$0x1] =	stream.indirect_vreg.gather [hbm4b:s6+s3], $0x80, v3, vm0, $0xb8;
	[tilespmem:$0x10800] =	vst v63  }
0x88: {  	s24 =	simm.s32 $0x3800  }
0x89: {  	[tilespmem:s24], [sflag:$0x1] =	stream.indirect_vreg.gather [hbm4b:s7+s3], $0x80, v3, vm0, $0xb8;
	[tilespmem:$0x10800] =	vst v63  }
0x8a: {  	_ = 	snop  }
0x8b: {  	[tilespmem:s2], [sflag:$0x1] =	stream.indirect_vreg.gather [hbm4b:s8+s3], $0x80, v3, vm0, $0xb8;
	[tilespmem:$0x10800] =	vst v63  }
0x8c: {  	v3 =	vld [tilespmem:s4+$0x10];
	_ =	sdelay $0x4  }
0x8d: {  	v61 =	vshll.u32 v3, $0x3  }
0x8e: {  	v3 =	vand.u32 $0x7, v3;
	v4 =	vand.u32 $0xFFFFFFC0, v61  }
0x8f: {  	v3 =	vor.u32 v3, v4  }
0x90: {  	v4 =	vperm.xlane v3, v0;
	_ =	sdelay $0x1  }
0x91: {  	v4 =	vadd.s32 v1, v4;
	_ =	sdelay $0x4  }
0x92: {  	[tilespmem:s10], [sflag:$0x1] =	stream.indirect_vreg.gather [hbm4b:s5+s3], $0x80, v4, vm0, $0xb8;
	[tilespmem:$0x10800] =	vst v63  }
0x93: {  	v3 =	vperm.xlane v3, v2  }
0x94: {  	[tilespmem:s11], [sflag:$0x1] =	stream.indirect_vreg.gather [hbm4b:s6+s3], $0x80, v4, vm0, $0xb8;
	[tilespmem:$0x10800] =	vst v63  }
0x95: {  	v3 =	vadd.s32 v1, v3  }
0x96: {  	[tilespmem:s14], [sflag:$0x1] =	stream.indirect_vreg.gather [hbm4b:s7+s3], $0x80, v4, vm0, $0xb8;
	[tilespmem:$0x10800] =	vst v63  }
0x97: {  	_ = 	snop  }
0x98: {  	[tilespmem:s15], [sflag:$0x1] =	stream.indirect_vreg.gather [hbm4b:s8+s3], $0x80, v4, vm0, $0xb8;
	[tilespmem:$0x10800] =	vst v63  }
0x99: {  	_ = 	snop  }
0x9a: {  	[tilespmem:s16], [sflag:$0x1] =	stream.indirect_vreg.gather [hbm4b:s5+s3], $0x80, v3, vm0, $0xb8;
	[tilespmem:$0x10800] =	vst v63  }
0x9b: {  	_ = 	snop  }
0x9c: {  	[tilespmem:s17], [sflag:$0x1] =	stream.indirect_vreg.gather [hbm4b:s6+s3], $0x80, v3, vm0, $0xb8;
	[tilespmem:$0x10800] =	vst v63  }
0x9d: {  	_ = 	snop  }
0x9e: {  	[tilespmem:s18], [sflag:$0x1] =	stream.indirect_vreg.gather [hbm4b:s7+s3], $0x80, v3, vm0, $0xb8;
	[tilespmem:$0x10800] =	vst v63  }
0x9f: {  	_ = 	snop  }
0xa0: {  	[tilespmem:s19], [sflag:$0x1] =	stream.indirect_vreg.gather [hbm4b:s8+s3], $0x80, v3, vm0, $0xb8;
	[tilespmem:$0x10800] =	vst v63  }
0xa1: {  	v3 =	vld [tilespmem:s4+$0x20];
	_ =	sdelay $0x4  }
0xa2: {  	v62 =	vshll.u32 v3, $0x3  }
0xa3: {  	v3 =	vand.u32 $0x7, v3;
	v4 =	vand.u32 $0xFFFFFFC0, v62  }
0xa4: {  	v3 =	vor.u32 v3, v4  }
0xa5: {  	v4 =	vperm.xlane v3, v0;
	_ =	sdelay $0x1  }
0xa6: {  	v4 =	vadd.s32 v1, v4;
	_ =	sdelay $0x4  }
0xa7: {  	[tilespmem:s20], [sflag:$0x1] =	stream.indirect_vreg.gather [hbm4b:s5+s3], $0x80, v4, vm0, $0xb8;
	[tilespmem:$0x10800] =	vst v63  }
0xa8: {  	v3 =	vperm.xlane v3, v2  }
0xa9: {  	[tilespmem:s21], [sflag:$0x1] =	stream.indirect_vreg.gather [hbm4b:s6+s3], $0x80, v4, vm0, $0xb8;
	[tilespmem:$0x10800] =	vst v63  }
0xaa: {  	v3 =	vadd.s32 v1, v3  }
0xab: {  	[tilespmem:s22], [sflag:$0x1] =	stream.indirect_vreg.gather [hbm4b:s7+s3], $0x80, v4, vm0, $0xb8;
	[tilespmem:$0x10800] =	vst v63  }
0xac: {  	_ = 	snop  }
0xad: {  	[tilespmem:s13], [sflag:$0x1] =	stream.indirect_vreg.gather [hbm4b:s8+s3], $0x80, v4, vm0, $0xb8;
	[tilespmem:$0x10800] =	vst v63  }
0xae: {  	s2 =	simm.s32 $0xA800  }
0xaf: {  	[tilespmem:s2], [sflag:$0x1] =	stream.indirect_vreg.gather [hbm4b:s5+s3], $0x80, v3, vm0, $0xb8;
	[tilespmem:$0x10800] =	vst v63  }
0xb0: {  	s24 =	simm.s32 $0xB000  }
0xb1: {  	[tilespmem:s24], [sflag:$0x1] =	stream.indirect_vreg.gather [hbm4b:s6+s3], $0x80, v3, vm0, $0xb8;
	[tilespmem:$0x10800] =	vst v63  }
0xb2: {  	s2 =	simm.s32 $0xB800  }
0xb3: {  	[tilespmem:s2], [sflag:$0x1] =	stream.indirect_vreg.gather [hbm4b:s7+s3], $0x80, v3, vm0, $0xb8;
	[tilespmem:$0x10800] =	vst v63  }
0xb4: {  	s24 =	simm.s32 $0xC000  }
0xb5: {  	[tilespmem:s24], [sflag:$0x1] =	stream.indirect_vreg.gather [hbm4b:s8+s3], $0x80, v3, vm0, $0xb8;
	[tilespmem:$0x10800] =	vst v63  }
0xb6: {  	v3 =	vld [tilespmem:s4+$0x30];
	_ =	sdelay $0x4  }
0xb7: {  	v63 =	vshll.u32 v3, $0x3  }
0xb8: {  	v3 =	vand.u32 $0x7, v3;
	v4 =	vand.u32 $0xFFFFFFC0, v63  }
0xb9: {  	v3 =	vor.u32 v3, v4  }
0xba: {  	v4 =	vperm.xlane v3, v0;
	_ =	sdelay $0x1  }
0xbb: {  	v4 =	vadd.s32 v1, v4;
	_ =	sdelay $0x3  }
0xbc: {  	s2 =	simm.s32 $0xC800  }
0xbd: {  	[tilespmem:s2], [sflag:$0x1] =	stream.indirect_vreg.gather [hbm4b:s5+s3], $0x80, v4, vm0, $0xb8;
	[tilespmem:$0x10800] =	vst v63  }
0xbe: {  	s24 =	simm.s32 $0xD000;
	v3 =	vperm.xlane v3, v2  }
0xbf: {  	[tilespmem:s24], [sflag:$0x1] =	stream.indirect_vreg.gather [hbm4b:s6+s3], $0x80, v4, vm0, $0xb8;
	[tilespmem:$0x10800] =	vst v63  }
0xc0: {  	v3 =	vadd.s32 v1, v3;
	s2 =	simm.s32 $0xD800  }
0xc1: {  	[tilespmem:s2], [sflag:$0x1] =	stream.indirect_vreg.gather [hbm4b:s7+s3], $0x80, v4, vm0, $0xb8;
	[tilespmem:$0x10800] =	vst v63  }
0xc2: {  	s24 =	simm.s32 $0xE000  }
0xc3: {  	[tilespmem:s24], [sflag:$0x1] =	stream.indirect_vreg.gather [hbm4b:s8+s3], $0x80, v4, vm0, $0xb8;
	[tilespmem:$0x10800] =	vst v63  }
0xc4: {  	s2 =	simm.s32 $0xE800  }
0xc5: {  	[tilespmem:s2], [sflag:$0x1] =	stream.indirect_vreg.gather [hbm4b:s5+s3], $0x80, v3, vm0, $0xb8;
	[tilespmem:$0x10800] =	vst v63  }
0xc6: {  	s24 =	simm.s32 $0xF000  }
0xc7: {  	[tilespmem:s24], [sflag:$0x1] =	stream.indirect_vreg.gather [hbm4b:s6+s3], $0x80, v3, vm0, $0xb8;
	[tilespmem:$0x10800] =	vst v63  }
0xc8: {  	s2 =	simm.s32 $0xF800  }
0xc9: {  	[tilespmem:s2], [sflag:$0x1] =	stream.indirect_vreg.gather [hbm4b:s7+s3], $0x80, v3, vm0, $0xb8;
	[tilespmem:$0x10800] =	vst v63  }
0xca: {  	s24 =	simm.s32 $0x10000  }
0xcb: {  	[tilespmem:s24], [sflag:$0x1] =	stream.indirect_vreg.gather [hbm4b:s8+s3], $0x80, v3, vm0, $0xb8;
	[tilespmem:$0x10800] =	vst v63  }
0xcc: {  	_ =	swait.ge [sflag:s23], $0x10000  }
0xcd: {  	p0 =	sne.s32 s9, $0x1;
	[sflag:s23] =	ssyncset.done $0x0  }
.Ltmp0:
0xce: {  	s2 =	rddreg [dreg:$0x5];
	[sflag:s23] =	ssyncadd.s32 $0xFFFF0000;
	(pc) =	sbr.rel @p0 .LBB2_1-.Ltmp0, $4  }
0xcf: {  	[hbm4b:s2+s3] =	stream.linear.scatter [tilespmem:s0], [sflag:$0x2], $0x10000, $0x38;
	[tilespmem:$0x10800] =	vst v63  }
0xd0: {  	_ =	swait.ge [sflag:s12], $0x10000  }
0xd1: {  	[sflag:s12] =	ssyncset.done $0x0  }
0xd2: {  	s9 =	sadd.s32 $0xFFFFFFFF, s9;
	[sflag:s12] =	ssyncadd.s32 $0xFFFF0000  }
0xd3: {  	_ =	sfence.sel $0x180000  }
0xd4: {  	[bflag:$0x0] =	sbarrier.arrive $0xFFFF  }
0xd5: {  	_ =	strace $0x9000004A  }
0xd6: {  	s0 =	stileid.u32;
	[bflag:$0x2] =	sbarrier.arrive $0xFFFF  }
0xd7: {  	p0 =	sne.s32 s0, $0x0;
	s0 =	rddreg [dreg:$0x2]  }
0xd8: {  	s0 =	sadd.s32 @!p0 $0x100000, s0  }
0xd9: {  	[sflag:s0] =	ssyncadd.tile.s32 @!p0 $0x1;
	_ =	shalt  }
.Lfunc_end2:
_tile_overlayer_lowered:
.L_overlay_start_2:
0xda: {  	(tag) =	ssettag $0x2  }
0xdb: {  	s0 =	rddreg [dreg:$0x0];
	s2 =	stileid.u32  }
0xdc: {  	s1 =	rddreg [dreg:$0x1];
	p0 =	sne.s32 s2, $0x0  }
0xdd: {  	s3 =	rddreg [dreg:$0x2];
	[bflag:$0x3] =	sbarrier.arrive $0xFFFF;
	s2 =	simm.s32 @!p0 $0x1C02  }
0xde: {  	[timem:s3], [sflag:s2] =	dma.local @!p0 [hbm:s0], s1  }
0xdf: {  	s0 =	simm.s32 @!p0 $0x2  }
0xe0: {  	_ =	swait.ge @!p0 [sflag:s0], s1  }
0xe1: {  	s1 =	ssub.s32 @!p0 $0x0, s1;
	[sflag:s0] =	ssyncset.done @!p0 $0x0  }
0xe2: {  	[sflag:s0] =	ssyncadd.s32 @!p0 s1  }
0xe3: {  	[bflag:$0x3] =	sbarrier.arrive $0xFFFF  }
0xe4: {  	_ =	shalt  }

// kernel: kernel.7.cloned.1.call-start
scs
__scs_entry_jumppad:
0x0: {  	(pc) =	sbr.rel $0x88, $3  }
0x1: {  	(tag) =	ssettag $0x0;
	lr =	simm.s32 $0x1  }
0x2: {  	[smem:$0x3F98] =	sst lr;
	_ =	strace $0xD0000000  }
0x3: {  	_ = 	snop  }
0x4: {  	_ = 	snop  }
0x5: {  	_ = 	snop  }
0x6: {  	_ = 	snop  }
0x7: {  	_ = 	snop  }
__scs_overlays_trampoline_lowered:
0x8: {  	[smem:$0x3FA7] =	sst s0  }
0x9: {  	[smem:$0x3FA8] =	sst s1  }
0xa: {  	[smem:$0x3FA9] =	sst s2  }
0xb: {  	[smem:$0x3FAA] =	sst s3  }
0xc: {  	[smem:$0x3FAB] =	sst s4  }
0xd: {  	[smem:$0x3FAC] =	sst s5  }
0xe: {  	[smem:$0x3FAD] =	sst s6  }
0xf: {  	[smem:$0x3FAE] =	sst s7  }
0x10: {  	[smem:$0x3FAF] =	sst s8  }
0x11: {  	[smem:$0x3FB0] =	sst s9;
	s0 =	simm.s32 @!p0 $0x0  }
0x12: {  	s1 =	sld [smem:$0x3F96];
	s0 =	simm.s32 @p0 $0x1  }
0x13: {  	[smem:$0x3FB1] =	sst s0;
	s0 =	simm.s32 @!p1 $0x0  }
0x14: {  	s2 =	sld [smem:$0x3F95];
	s0 =	simm.s32 @p1 $0x1  }
0x15: {  	[smem:$0x3FB2] =	sst s0;
	s0 =	simm.s32 @!p2 $0x0  }
0x16: {  	s3 =	sld [smem:$0x3FDB];
	s0 =	simm.s32 @p2 $0x1  }
0x17: {  	s4 =	simm.s32 $0x1BF5;
	[smem:$0x3FB4] =	sst s0  }
0x18: {  	s0 =	sld [smem:$0x3F97];
	_ =	swait.ge [sflag:s4], $0x0  }
0x19: {  	s7 =	sld [smem:$0x3F98]  }
0x1a: {  	s8 =	sadd.s32 $0xFFFFE003, lr  }
0x1b: {  	s9 =	sadd.s32 $0xFFFFFEF7, lr;
	s5 =	simm.s32 $0xFFFFFFFF;
	p2 =	slt.u32 s8, $0xFFFFF086  }
0x1c: {  	p1 =	slt.u32 s9, $0xF7A;
	s5 =	simm.s32 @!p2 $0x0  }
0x1d: {  	s5 =	simm.s32 @p1 $0x1;
	p0 =	seq.s32 s7, s2  }
0x1e: {  	s7 =	smul.u32 @!p0 $0xF7A, s2;
	p2 =	seq.s32 @!p0 s5, $0x0  }
0x1f: {  	s9 =	smul.u32 $0xF7A, s1;
	s8 =	simm.s32 @!p0 $0x1BF5;
	p2 =	por !p2, p0  }
0x20: {  	[sflag:s8] =	ssyncset.s32 @!p0 $0xFFFFF086;
	s6 =	sadd.s32 @!p0 s3, s7;
	s7 =	simm.s32 @!p0 $0x108  }
0x21: {  	s3 =	sadd.s32 s3, s9;
	s6 =	sadd.s32 @!p0 $0x88, s6;
	s7 =	simm.s32 @p2 $0x1082  }
0x22: {  	[simem:s7], [sflag:s8] =	dma.local @!p0 [hbm:s6], $0xF7A  }
0x23: {  	s9 =	sor.u32 $0xD0000000, s2;
	s6 =	simm.s32 $0x108;
	_ =	swait.ge @!p0 [sflag:s8], $0x0  }
0x24: {  	s3 =	sadd.s32 $0x88, s3;
	s6 =	simm.s32 @!p1 $0x1082;
	[sflag:s4] =	ssyncset.s32 $0xFFFFF086  }
0x25: {  	[simem:s6], [sflag:s4] =	dma.local [hbm:s3], $0xF7A  }
0x26: {  	[smem:$0x3F98] =	sst s1;
	(tag) =	ssettag s2;
	_ =	strace s9  }
0x27: {  	s1 =	sld [smem:$0x3FA8]  }
0x28: {  	s2 =	sld [smem:$0x3FA9]  }
0x29: {  	s4 =	sld [smem:$0x3FAB]  }
0x2a: {  	p0 =	seq.s32 s5, $0x0;
	s5 =	sld [smem:$0x3FAC]  }
0x2b: {  	s6 =	sld [smem:$0x3FAD]  }
0x2c: {  	s7 =	sld [smem:$0x3FAE]  }
0x2d: {  	s3 =	simm.s32 $0x108;
	s8 =	sld [smem:$0x3FAF]  }
0x2e: {  	s3 =	simm.s32 @!p0 $0x1082;
	s9 =	sld [smem:$0x3FB0]  }
0x2f: {  	lr =	sadd.s32 s0, s3;
	s0 =	sld [smem:$0x3FA7]  }
0x30: {  	s3 =	sld [smem:$0x3FAA]  }
0x31: {  	[smem:$0x3FB3] =	sst s10  }
0x32: {  	s10 =	sld [smem:$0x3FB1];
	_ =	sdelay $0x3  }
0x33: {  	p0 =	seq.s32 s10, $0x1;
	s10 =	sld [smem:$0x3FB3];
	_ =	sdelay $0x3  }
0x34: {  	[smem:$0x3FB3] =	sst s10  }
0x35: {  	s10 =	sld [smem:$0x3FB2];
	_ =	sdelay $0x3  }
0x36: {  	p1 =	seq.s32 s10, $0x1;
	s10 =	sld [smem:$0x3FB3];
	_ =	sdelay $0x3  }
0x37: {  	[smem:$0x3FB3] =	sst s10  }
0x38: {  	s10 =	sld [smem:$0x3FB4]  }
0x39: {  	_ = 	snop;
	(pc) =	sbr.ind lr, $3  }
0x3a: {  	_ = 	snop  }
0x3b: {  	_ = 	snop  }
0x3c: {  	p2 =	seq.s32 s10, $0x1;
	s10 =	sld [smem:$0x3FB3]  }
0x3d: {  	_ =	shalt  }
0x3e: {  	_ =	shalt  }
0x3f: {  	_ =	shalt  }
0x40: {  	_ =	shalt  }
0x41: {  	_ =	shalt  }
0x42: {  	_ =	shalt  }
0x43: {  	_ =	shalt  }
0x44: {  	_ =	shalt  }
0x45: {  	_ =	shalt  }
0x46: {  	_ =	shalt  }
0x47: {  	_ =	shalt  }
0x48: {  	_ =	shalt  }
0x49: {  	_ =	shalt  }
0x4a: {  	_ =	shalt  }
0x4b: {  	_ =	shalt  }
0x4c: {  	_ =	shalt  }
0x4d: {  	_ =	shalt  }
0x4e: {  	_ =	shalt  }
0x4f: {  	_ =	shalt  }
0x50: {  	_ =	shalt  }
0x51: {  	_ =	shalt  }
0x52: {  	_ =	shalt  }
0x53: {  	_ =	shalt  }
0x54: {  	_ =	shalt  }
0x55: {  	_ =	shalt  }
0x56: {  	_ =	shalt  }
0x57: {  	_ =	shalt  }
0x58: {  	_ =	shalt  }
0x59: {  	_ =	shalt  }
0x5a: {  	_ =	shalt  }
0x5b: {  	_ =	shalt  }
0x5c: {  	_ =	shalt  }
0x5d: {  	_ =	shalt  }
0x5e: {  	_ =	shalt  }
0x5f: {  	_ =	shalt  }
0x60: {  	_ =	shalt  }
0x61: {  	_ =	shalt  }
0x62: {  	_ =	shalt  }
0x63: {  	_ =	shalt  }
0x64: {  	_ =	shalt  }
0x65: {  	_ =	shalt  }
0x66: {  	_ =	shalt  }
0x67: {  	_ =	shalt  }
0x68: {  	_ =	shalt  }
0x69: {  	_ =	shalt  }
0x6a: {  	_ =	shalt  }
0x6b: {  	_ =	shalt  }
0x6c: {  	_ =	shalt  }
0x6d: {  	_ =	shalt  }
0x6e: {  	_ =	shalt  }
0x6f: {  	_ =	shalt  }
0x70: {  	_ =	shalt  }
0x71: {  	_ =	shalt  }
0x72: {  	_ =	shalt  }
0x73: {  	_ =	shalt  }
0x74: {  	_ =	shalt  }
0x75: {  	_ =	shalt  }
0x76: {  	_ =	shalt  }
0x77: {  	_ =	shalt  }
0x78: {  	_ =	shalt  }
0x79: {  	_ =	shalt  }
0x7a: {  	_ =	shalt  }
0x7b: {  	_ =	shalt  }
0x7c: {  	_ =	shalt  }
0x7d: {  	_ =	shalt  }
0x7e: {  	_ =	shalt  }
0x7f: {  	_ =	shalt  }
0x80: {  	_ =	shalt  }
0x81: {  	_ =	shalt  }
0x82: {  	_ =	shalt  }
0x83: {  	_ =	shalt  }
0x84: {  	_ =	shalt  }
0x85: {  	_ =	shalt  }
0x86: {  	_ =	shalt  }
0x87: {  	_ =	shalt  }
.Lfunc_end0:
.L_simem_size_0:
called_computation_lowered:
.L_overlay_start_0:
0x88: {  	s2 =	sld [smem:$0x3FD9]  }
0x89: {  	s3 =	sld [smem:$0x3FFE];
	_ =	sdelay $0x1  }
0x8a: {  	s1 =	srdreg.scid  }
0x8b: {  	s0 =	sand.u32 $0x1, s1  }
0x8c: {  	s17 =	sshll.u32 s0, $0xA;
	s2 =	sadd.s32 s3, s2  }
0x8d: {  	s2 =	sadd.s32 s2, s17  }
0x8e: {  	[smem:$0x3FBF] =	sst s2  }
0x8f: {  	_ = 	snop  }
0x90: {  	s2 =	sld [smem:$0x3FC9]  }
0x91: {  	s18 =	sld [smem:$0x3FD0];
	(tm) =	ssettm $0x1  }
0x92: {  	s4 =	sld [smem:$0x3FFB];
	_ =	sdelay $0x3  }
0x93: {  	_ =	strace s4  }
0x94: {  	s4 =	sld [smem:$0x3FFC];
	_ =	sdelay $0x3  }
0x95: {  	_ =	strace s4  }
0x96: {  	s4 =	sld [smem:$0x3FFD];
	_ =	sdelay $0x3  }
0x97: {  	_ =	strace s4  }
0x98: {  	_ =	strace $0x8FFFFFFF  }
0x99: {  	s19 =	sld [smem:$0x3FDB];
	_ =	sdelay $0x1  }
0x9a: {  	s5 =	simm.s32 $_scs_section_size  }
0x9b: {  	s6 =	simm.s32 $_size__tile_overlayer_lowered;
	s7 =	simm.s32 $_tile_overlayer_lowered  }
0x9c: {  	s22 =	simm.s32 $0x1BFF;
	s21 =	sshll.u32 s7, $0x1;
	s4 =	sadd.s32 s5, s19  }
0x9d: {  	s8 =	simm.s32 $0x0;
	s20 =	sshll.u32 s6, $0x1;
	s6 =	sadd.s32 s21, s4  }
0x9e: {  	[timem:s8], [sflag:s22] =	dma.local [hbm:s6], s20  }
0x9f: {  	_ =	swait.ge [sflag:s22], s20  }
0xa0: {  	s5 =	ssub.s32 $0x0, s20;
	[sflag:s22] =	ssyncset.done $0x0  }
0xa1: {  	[sflag:s22] =	ssyncadd.s32 s5;
	_ =	sdelay $0x1  }
0xa2: {  	s23 =	simm.s32 $0x1B8B  }
0xa3: {  	_ =	swait.ge [sflag:s23], $0x1  }
0xa4: {  	[sflag:s23] =	ssyncset.done $0x0  }
0xa5: {  	s25 =	simm.s32 $0x1B8E;
	s24 =	sld [smem:$0x3FFE];
	[sflag:s23] =	ssyncadd.s32 $0xFFFFFFFF  }
0xa6: {  	s26 =	simm.s32 $execute0_lowered;
	[smem:$0x3FD2] =	sst s25  }
0xa7: {  	s6 =	sshll.u32 s26, $0x1;
	_ =	strace $0x80000046;
	[dreg:$0x1] =	wrdreg $0xFFFFFFFF  }
0xa8: {  	s28 =	simm.s32 $_size_execute0_lowered;
	s4 =	sadd.s32 s4, s6;
	[dreg:$0x0] =	wrdreg $0x0  }
0xa9: {  	s6 =	sshll.u32 s28, $0x1;
	[dreg:$0x2] =	wrdreg s4  }
0xaa: {  	[dreg:$0x3] =	wrdreg s6  }
0xab: {  	[dreg:$0x4] =	wrdreg $0xC0  }
0xac: {  	_ =	task [dreg:s8], $0x5FFFF  }
0xad: {  	[dreg:$0x1] =	wrdreg $0xFFFFFFFF  }
0xae: {  	[dreg:$0x0] =	wrdreg $0x60  }
0xaf: {  	[dreg:$0x2] =	wrdreg s2  }
0xb0: {  	[dreg:$0x3] =	wrdreg s18  }
0xb1: {  	[dreg:$0x4] =	wrdreg s24  }
0xb2: {  	[dreg:$0x5] =	wrdreg $0x9  }
0xb3: {  	_ =	task.clear_ibuf [dreg:s8], $0x6FFFF;
	_ =	strace $0x90000046  }
0xb4: {  	s29 =	simm.s32 $0x9;
	_ =	strace $0x80000048  }
0xb5: {  	_ =	swait.ge [sflag:s29], $0x1  }
0xb6: {  	[sflag:s29] =	ssyncadd.s32 $0xFFFFFFFF  }
0xb7: {  	_ =	strace $0x90000048  }
0xb8: {  	_ =	sfence  }
0xb9: {  	s30 =	sld [smem:$0x0];
	_ =	sdelay $0x2  }
0xba: {  	s31 =	sshll.u32 s1, $0xD;
	s1 =	sshrl.u32 s1, $0x2  }
0xbb: {  	s3 =	sand.u32 $0x4000, s31;
	s1 =	sadd.s32 s1, s30  }
0xbc: {  	s0 =	sor.u32 s3, s0;
	s1 =	sshll.u32 s1, $0x11  }
0xbd: {  	s0 =	sor.u32 s1, s0  }
0xbe: {  	s0 =	sadd.s32 $0x8F2B, s0  }
0xbf: {  	[sflag:s0] =	ssyncadd.remote.s32 $0x1  }
0xc0: {  	_ =	sfence.sel $0xFFFF  }
0xc1: {  	[dreg:$0x0] =	wrdreg $0xFFFFFFFF;
	(pc) =	sbr.abs _section_cstart, $3  }
0xc2: {  	[dreg:$0x1] =	wrdreg $0xFFFFFFFF  }
0xc3: {  	_ =	task.clear_ibuf [dreg:s8], $0x2FFFF;
	_ =	strace $0x9FFFFFFF  }
0xc4: {  	(tm) =	ssettm $0x7FFFFFFF  }
0xc5: {  	_ =	shalt  }
tec
execute0_lowered:
.L_overlay_start_1:
0x0: {  	(tag) =	ssettag $0x1  }
0x1: {  	s0 =	rddreg [dreg:$0x0]  }
0x2: {  	s1 =	srdreg.scid;
	s7 =	rddreg [dreg:$0x1]  }
0x3: {  	s3 =	stileid.u32;
	s2 =	rddreg [dreg:$0x2];
	s14 =	simm.s32 $0x2  }
0x4: {  	s31 =	simm.s32 $0x800;
	s30 =	simm.s32 $0x1;
	s15 =	simm.s32 $0x3800  }
0x5: {  	s16 =	simm.s32 $0x4000;
	s17 =	simm.s32 $0x4800;
	s18 =	simm.s32 $0x5000  }
0x6: {  	s19 =	simm.s32 $0x5800;
	s20 =	simm.s32 $0x6000;
	s21 =	simm.s32 $0x6800  }
0x7: {  	s22 =	simm.s32 $0x7000;
	s28 =	simm.s32 $0x9800;
	s29 =	simm.s32 $0xA000  }
0x8: {  	s13 =	simm.s32 $0xA800;
	s1 =	sand.u32 $0x1, s1;
	s4 =	sshll.u32 s3, $0x7  }
0x9: {  	s3 =	simm.s32 $0x0;
	s23 =	sadd.s32 $0x10, s7;
	s7 =	sadd.s32 $0x2200, s2  }
0xa: {  	s8 =	sadd.s32 $0x2300, s2;
	s5 =	sshll.u32 s1, $0x6;
	[smem:$0x7FF] =	sst s3  }
0xb: {  	s1 =	ssub.s32 $0x2, s1;
	_ =	strace $0x80000047;
	[dreg:$0x5] =	wrdreg s23  }
0xc: {  	s4 =	sor.u32 s5, s4;
	s6 =	sshrl.u32 s1, $0x1;
	[dreg:$0x6] =	wrdreg s31  }
0xd: {  	s23 =	simm.s32 $0x7800;
	s5 =	sshll.u32 s4, $0x7;
	s1 =	ssub.s32 s1, s6  }
0xe: {  	s6 =	sadd.s32 $0x2100, s2;
	s24 =	sor.u32 $0x10, s4;
	[dreg:$0x8] =	wrdreg s4  }
0xf: {  	s25 =	sor.u32 $0x20, s4;
	s26 =	sor.u32 $0x30, s4;
	[dreg:$0x7] =	wrdreg s24  }
0x10: {  	v2 =	vlaneseq.u32;
	s0 =	sadd.s32 s0, s5;
	s5 =	sadd.s32 $0x2000, s2;
	[dreg:$0x9] =	wrdreg s25  }
0x11: {  	vm0 =	vmmov $0xffff;
	v1 =	vshrl.u32 v2, $0x3;
	[dreg:$0xa] =	wrdreg s26;
	s12 =	smax.u32 s1, $0x1;
	s24 =	simm.s32 $0x8000  }
0x12: {  	v0 =	vand.u32 $0x7, v2;
	v2 =	vor.u32 $0x8, v2;
	v1 =	vmul.u32 $0x8, v1;
	s25 =	simm.s32 $0x8800;
	s26 =	simm.s32 $0x9000;
	[dreg:$0x4] =	wrdreg s0  }
.LBB2_1:
0x13: {  	s31 =	rddreg [dreg:$0x4];
	s9 =	simm.s32 $0x1000  }
0x14: {  	[tilespmem:s9], [sflag:$0x2] =	stream.linear.gather [hbm4b:s31+s3], $0x10000, $0x38;
	[tilespmem:$0x11000] =	vst v63  }
0x15: {  	_ =	swait.ge [sflag:s14], $0x10000  }
0x16: {  	[sflag:s14] =	ssyncset.done $0x0  }
0x17: {  	[sflag:s14] =	ssyncadd.s32 $0xFFFF0000  }
0x18: {  	s0 =	simm.s32 $0x80;
	s2 =	simm.s32 $0x400;
	s1 =	rddreg [dreg:$0x1]  }
0x19: {  	[tilespmem:s3], [sflag:$0x2] =	stream.strided.gather [hbm4b:s1+s0], $0x800, s2, s0, $0x38;
	[tilespmem:$0x11000] =	vst v63  }
0x1a: {  	_ =	swait.ge [sflag:s14], $0x800  }
0x1b: {  	s4 =	rddreg [dreg:$0x5];
	[sflag:s14] =	ssyncset.done $0x0  }
0x1c: {  	s10 =	rddreg [dreg:$0x6];
	[sflag:s14] =	ssyncadd.s32 $0xFFFFF800  }
0x1d: {  	[tilespmem:s10], [sflag:$0x2] =	stream.strided.gather [hbm4b:s4+s0], $0x800, s2, s0, $0x38;
	[tilespmem:$0x11000] =	vst v63  }
0x1e: {  	_ =	swait.ge [sflag:s14], $0x800  }
0x1f: {  	[sflag:s14] =	ssyncset.done $0x0  }
0x20: {  	s10 =	rddreg [dreg:$0x8];
	[sflag:s14] =	ssyncadd.s32 $0xFFFFF800  }
0x21: {  	v3 =	vld [tilespmem:s10+$0x0];
	_ =	sdelay $0x4  }
0x22: {  	v4 =	vshll.u32 v3, $0x3  }
0x23: {  	v3 =	vand.u32 $0x7, v3;
	v4 =	vand.u32 $0xFFFFFFC0, v4  }
0x24: {  	v3 =	vor.u32 v3, v4  }
0x25: {  	v4 =	vperm.xlane v3, v0;
	_ =	sdelay $0x1  }
0x26: {  	v4 =	vadd.s32 v1, v4;
	_ =	sdelay $0x4  }
0x27: {  	[hbm4b:s5+s3] =	stream.indirect_vreg.scatter [tilespmem:s9], [sflag:$0x1], $0x80, v4, vm0, $0xb8;
	[tilespmem:$0x11000] =	vst v63  }
0x28: {  	s11 =	simm.s32 $0x1800;
	v3 =	vperm.xlane v3, v2  }
0x29: {  	[hbm4b:s6+s3] =	stream.indirect_vreg.scatter [tilespmem:s11], [sflag:$0x1], $0x80, v4, vm0, $0xb8;
	[tilespmem:$0x11000] =	vst v63  }
0x2a: {  	s31 =	simm.s32 $0x2000;
	v3 =	vadd.s32 v1, v3  }
0x2b: {  	[hbm4b:s7+s3] =	stream.indirect_vreg.scatter [tilespmem:s31], [sflag:$0x1], $0x80, v4, vm0, $0xb8;
	[tilespmem:$0x11000] =	vst v63  }
0x2c: {  	s2 =	simm.s32 $0x2800  }
0x2d: {  	[hbm4b:s8+s3] =	stream.indirect_vreg.scatter [tilespmem:s2], [sflag:$0x1], $0x80, v4, vm0, $0xb8;
	[tilespmem:$0x11000] =	vst v63  }
0x2e: {  	s31 =	simm.s32 $0x3000  }
0x2f: {  	[hbm4b:s5+s3] =	stream.indirect_vreg.scatter [tilespmem:s31], [sflag:$0x1], $0x80, v3, vm0, $0xb8;
	[tilespmem:$0x11000] =	vst v63  }
0x30: {  	_ = 	snop  }
0x31: {  	[hbm4b:s6+s3] =	stream.indirect_vreg.scatter [tilespmem:s15], [sflag:$0x1], $0x80, v3, vm0, $0xb8;
	[tilespmem:$0x11000] =	vst v63  }
0x32: {  	_ = 	snop  }
0x33: {  	[hbm4b:s7+s3] =	stream.indirect_vreg.scatter [tilespmem:s16], [sflag:$0x1], $0x80, v3, vm0, $0xb8;
	[tilespmem:$0x11000] =	vst v63  }
0x34: {  	s4 =	rddreg [dreg:$0x7]  }
0x35: {  	[hbm4b:s8+s3] =	stream.indirect_vreg.scatter [tilespmem:s17], [sflag:$0x1], $0x80, v3, vm0, $0xb8;
	[tilespmem:$0x11000] =	vst v63  }
0x36: {  	v3 =	vld [tilespmem:s4+$0x0];
	_ =	sdelay $0x4  }
0x37: {  	v57 =	vshll.u32 v3, $0x3  }
0x38: {  	v3 =	vand.u32 $0x7, v3;
	v4 =	vand.u32 $0xFFFFFFC0, v57  }
0x39: {  	v3 =	vor.u32 v3, v4  }
0x3a: {  	v4 =	vperm.xlane v3, v0;
	_ =	sdelay $0x1  }
0x3b: {  	v4 =	vadd.s32 v1, v4;
	_ =	sdelay $0x4  }
0x3c: {  	[hbm4b:s5+s3] =	stream.indirect_vreg.scatter [tilespmem:s18], [sflag:$0x1], $0x80, v4, vm0, $0xb8;
	[tilespmem:$0x11000] =	vst v63  }
0x3d: {  	v3 =	vperm.xlane v3, v2  }
0x3e: {  	[hbm4b:s6+s3] =	stream.indirect_vreg.scatter [tilespmem:s19], [sflag:$0x1], $0x80, v4, vm0, $0xb8;
	[tilespmem:$0x11000] =	vst v63  }
0x3f: {  	v3 =	vadd.s32 v1, v3  }
0x40: {  	[hbm4b:s7+s3] =	stream.indirect_vreg.scatter [tilespmem:s20], [sflag:$0x1], $0x80, v4, vm0, $0xb8;
	[tilespmem:$0x11000] =	vst v63  }
0x41: {  	_ = 	snop  }
0x42: {  	[hbm4b:s8+s3] =	stream.indirect_vreg.scatter [tilespmem:s21], [sflag:$0x1], $0x80, v4, vm0, $0xb8;
	[tilespmem:$0x11000] =	vst v63  }
0x43: {  	_ = 	snop  }
0x44: {  	[hbm4b:s5+s3] =	stream.indirect_vreg.scatter [tilespmem:s22], [sflag:$0x1], $0x80, v3, vm0, $0xb8;
	[tilespmem:$0x11000] =	vst v63  }
0x45: {  	_ = 	snop  }
0x46: {  	[hbm4b:s6+s3] =	stream.indirect_vreg.scatter [tilespmem:s23], [sflag:$0x1], $0x80, v3, vm0, $0xb8;
	[tilespmem:$0x11000] =	vst v63  }
0x47: {  	_ = 	snop  }
0x48: {  	[hbm4b:s7+s3] =	stream.indirect_vreg.scatter [tilespmem:s24], [sflag:$0x1], $0x80, v3, vm0, $0xb8;
	[tilespmem:$0x11000] =	vst v63  }
0x49: {  	s11 =	rddreg [dreg:$0x9]  }
0x4a: {  	[hbm4b:s8+s3] =	stream.indirect_vreg.scatter [tilespmem:s25], [sflag:$0x1], $0x80, v3, vm0, $0xb8;
	[tilespmem:$0x11000] =	vst v63  }
0x4b: {  	v3 =	vld [tilespmem:s11+$0x0];
	_ =	sdelay $0x4  }
0x4c: {  	v58 =	vshll.u32 v3, $0x3  }
0x4d: {  	v3 =	vand.u32 $0x7, v3;
	v4 =	vand.u32 $0xFFFFFFC0, v58  }
0x4e: {  	v3 =	vor.u32 v3, v4  }
0x4f: {  	v4 =	vperm.xlane v3, v0;
	_ =	sdelay $0x1  }
0x50: {  	v4 =	vadd.s32 v1, v4;
	_ =	sdelay $0x4  }
0x51: {  	[hbm4b:s5+s3] =	stream.indirect_vreg.scatter [tilespmem:s26], [sflag:$0x1], $0x80, v4, vm0, $0xb8;
	[tilespmem:$0x11000] =	vst v63  }
0x52: {  	v3 =	vperm.xlane v3, v2  }
0x53: {  	[hbm4b:s6+s3] =	stream.indirect_vreg.scatter [tilespmem:s28], [sflag:$0x1], $0x80, v4, vm0, $0xb8;
	[tilespmem:$0x11000] =	vst v63  }
0x54: {  	v3 =	vadd.s32 v1, v3  }
0x55: {  	[hbm4b:s7+s3] =	stream.indirect_vreg.scatter [tilespmem:s29], [sflag:$0x1], $0x80, v4, vm0, $0xb8;
	[tilespmem:$0x11000] =	vst v63  }
0x56: {  	_ = 	snop  }
0x57: {  	[hbm4b:s8+s3] =	stream.indirect_vreg.scatter [tilespmem:s13], [sflag:$0x1], $0x80, v4, vm0, $0xb8;
	[tilespmem:$0x11000] =	vst v63  }
0x58: {  	s1 =	simm.s32 $0xB000  }
0x59: {  	[hbm4b:s5+s3] =	stream.indirect_vreg.scatter [tilespmem:s1], [sflag:$0x1], $0x80, v3, vm0, $0xb8;
	[tilespmem:$0x11000] =	vst v63  }
0x5a: {  	s1 =	simm.s32 $0xB800  }
0x5b: {  	[hbm4b:s6+s3] =	stream.indirect_vreg.scatter [tilespmem:s1], [sflag:$0x1], $0x80, v3, vm0, $0xb8;
	[tilespmem:$0x11000] =	vst v63  }
0x5c: {  	s1 =	simm.s32 $0xC000  }
0x5d: {  	[hbm4b:s7+s3] =	stream.indirect_vreg.scatter [tilespmem:s1], [sflag:$0x1], $0x80, v3, vm0, $0xb8;
	[tilespmem:$0x11000] =	vst v63  }
0x5e: {  	s0 =	rddreg [dreg:$0xa];
	s1 =	simm.s32 $0xC800  }
0x5f: {  	[hbm4b:s8+s3] =	stream.indirect_vreg.scatter [tilespmem:s1], [sflag:$0x1], $0x80, v3, vm0, $0xb8;
	[tilespmem:$0x11000] =	vst v63  }
0x60: {  	v3 =	vld [tilespmem:s0+$0x0];
	_ =	sdelay $0x4  }
0x61: {  	v59 =	vshll.u32 v3, $0x3  }
0x62: {  	v3 =	vand.u32 $0x7, v3;
	v4 =	vand.u32 $0xFFFFFFC0, v59  }
0x63: {  	v3 =	vor.u32 v3, v4  }
0x64: {  	v4 =	vperm.xlane v3, v0;
	_ =	sdelay $0x1  }
0x65: {  	v4 =	vadd.s32 v1, v4;
	_ =	sdelay $0x3  }
0x66: {  	s1 =	simm.s32 $0xD000  }
0x67: {  	[hbm4b:s5+s3] =	stream.indirect_vreg.scatter [tilespmem:s1], [sflag:$0x1], $0x80, v4, vm0, $0xb8;
	[tilespmem:$0x11000] =	vst v63  }
0x68: {  	v3 =	vperm.xlane v3, v2;
	s1 =	simm.s32 $0xD800  }
0x69: {  	[hbm4b:s6+s3] =	stream.indirect_vreg.scatter [tilespmem:s1], [sflag:$0x1], $0x80, v4, vm0, $0xb8;
	[tilespmem:$0x11000] =	vst v63  }
0x6a: {  	v3 =	vadd.s32 v1, v3;
	s1 =	simm.s32 $0xE000  }
0x6b: {  	[hbm4b:s7+s3] =	stream.indirect_vreg.scatter [tilespmem:s1], [sflag:$0x1], $0x80, v4, vm0, $0xb8;
	[tilespmem:$0x11000] =	vst v63  }
0x6c: {  	s1 =	simm.s32 $0xE800  }
0x6d: {  	[hbm4b:s8+s3] =	stream.indirect_vreg.scatter [tilespmem:s1], [sflag:$0x1], $0x80, v4, vm0, $0xb8;
	[tilespmem:$0x11000] =	vst v63  }
0x6e: {  	s1 =	simm.s32 $0xF000  }
0x6f: {  	[hbm4b:s5+s3] =	stream.indirect_vreg.scatter [tilespmem:s1], [sflag:$0x1], $0x80, v3, vm0, $0xb8;
	[tilespmem:$0x11000] =	vst v63  }
0x70: {  	s1 =	simm.s32 $0xF800  }
0x71: {  	[hbm4b:s6+s3] =	stream.indirect_vreg.scatter [tilespmem:s1], [sflag:$0x1], $0x80, v3, vm0, $0xb8;
	[tilespmem:$0x11000] =	vst v63  }
0x72: {  	s1 =	simm.s32 $0x10000  }
0x73: {  	[hbm4b:s7+s3] =	stream.indirect_vreg.scatter [tilespmem:s1], [sflag:$0x1], $0x80, v3, vm0, $0xb8;
	[tilespmem:$0x11000] =	vst v63  }
0x74: {  	s1 =	simm.s32 $0x10800  }
0x75: {  	[hbm4b:s8+s3] =	stream.indirect_vreg.scatter [tilespmem:s1], [sflag:$0x1], $0x80, v3, vm0, $0xb8;
	[tilespmem:$0x11000] =	vst v63  }
0x76: {  	v3 =	vld [tilespmem:s10+$0x800];
	_ =	sdelay $0x4  }
0x77: {  	v60 =	vshll.u32 v3, $0x3  }
0x78: {  	v3 =	vand.u32 $0x7, v3;
	v4 =	vand.u32 $0xFFFFFFC0, v60  }
0x79: {  	v3 =	vor.u32 v3, v4  }
0x7a: {  	v4 =	vperm.xlane v3, v0;
	_ =	sdelay $0x1  }
0x7b: {  	v4 =	vadd.s32 v1, v4;
	_ =	sdelay $0x4  }
0x7c: {  	[hbm4b:s5+s3] =	stream.indirect_vreg.scatter [tilespmem:s9], [sflag:$0x1], $0x80, v4, vm0, $0xb8;
	[tilespmem:$0x11000] =	vst v63  }
0x7d: {  	s10 =	simm.s32 $0x1800;
	v3 =	vperm.xlane v3, v2  }
0x7e: {  	[hbm4b:s6+s3] =	stream.indirect_vreg.scatter [tilespmem:s10], [sflag:$0x1], $0x80, v4, vm0, $0xb8;
	[tilespmem:$0x11000] =	vst v63  }
0x7f: {  	v3 =	vadd.s32 v1, v3;
	s10 =	simm.s32 $0x2000  }
0x80: {  	[hbm4b:s7+s3] =	stream.indirect_vreg.scatter [tilespmem:s10], [sflag:$0x1], $0x80, v4, vm0, $0xb8;
	[tilespmem:$0x11000] =	vst v63  }
0x81: {  	_ = 	snop  }
0x82: {  	[hbm4b:s8+s3] =	stream.indirect_vreg.scatter [tilespmem:s2], [sflag:$0x1], $0x80, v4, vm0, $0xb8;
	[tilespmem:$0x11000] =	vst v63  }
0x83: {  	_ = 	snop  }
0x84: {  	[hbm4b:s5+s3] =	stream.indirect_vreg.scatter [tilespmem:s31], [sflag:$0x1], $0x80, v3, vm0, $0xb8;
	[tilespmem:$0x11000] =	vst v63  }
0x85: {  	_ = 	snop  }
0x86: {  	[hbm4b:s6+s3] =	stream.indirect_vreg.scatter [tilespmem:s15], [sflag:$0x1], $0x80, v3, vm0, $0xb8;
	[tilespmem:$0x11000] =	vst v63  }
0x87: {  	_ = 	snop  }
0x88: {  	[hbm4b:s7+s3] =	stream.indirect_vreg.scatter [tilespmem:s16], [sflag:$0x1], $0x80, v3, vm0, $0xb8;
	[tilespmem:$0x11000] =	vst v63  }
0x89: {  	_ = 	snop  }
0x8a: {  	[hbm4b:s8+s3] =	stream.indirect_vreg.scatter [tilespmem:s17], [sflag:$0x1], $0x80, v3, vm0, $0xb8;
	[tilespmem:$0x11000] =	vst v63  }
0x8b: {  	v3 =	vld [tilespmem:s4+$0x800];
	_ =	sdelay $0x4  }
0x8c: {  	v61 =	vshll.u32 v3, $0x3  }
0x8d: {  	v3 =	vand.u32 $0x7, v3;
	v4 =	vand.u32 $0xFFFFFFC0, v61  }
0x8e: {  	v3 =	vor.u32 v3, v4  }
0x8f: {  	v4 =	vperm.xlane v3, v0;
	_ =	sdelay $0x1  }
0x90: {  	v4 =	vadd.s32 v1, v4;
	_ =	sdelay $0x4  }
0x91: {  	[hbm4b:s5+s3] =	stream.indirect_vreg.scatter [tilespmem:s18], [sflag:$0x1], $0x80, v4, vm0, $0xb8;
	[tilespmem:$0x11000] =	vst v63  }
0x92: {  	v3 =	vperm.xlane v3, v2  }
0x93: {  	[hbm4b:s6+s3] =	stream.indirect_vreg.scatter [tilespmem:s19], [sflag:$0x1], $0x80, v4, vm0, $0xb8;
	[tilespmem:$0x11000] =	vst v63  }
0x94: {  	v3 =	vadd.s32 v1, v3  }
0x95: {  	[hbm4b:s7+s3] =	stream.indirect_vreg.scatter [tilespmem:s20], [sflag:$0x1], $0x80, v4, vm0, $0xb8;
	[tilespmem:$0x11000] =	vst v63  }
0x96: {  	_ = 	snop  }
0x97: {  	[hbm4b:s8+s3] =	stream.indirect_vreg.scatter [tilespmem:s21], [sflag:$0x1], $0x80, v4, vm0, $0xb8;
	[tilespmem:$0x11000] =	vst v63  }
0x98: {  	_ = 	snop  }
0x99: {  	[hbm4b:s5+s3] =	stream.indirect_vreg.scatter [tilespmem:s22], [sflag:$0x1], $0x80, v3, vm0, $0xb8;
	[tilespmem:$0x11000] =	vst v63  }
0x9a: {  	_ = 	snop  }
0x9b: {  	[hbm4b:s6+s3] =	stream.indirect_vreg.scatter [tilespmem:s23], [sflag:$0x1], $0x80, v3, vm0, $0xb8;
	[tilespmem:$0x11000] =	vst v63  }
0x9c: {  	_ = 	snop  }
0x9d: {  	[hbm4b:s7+s3] =	stream.indirect_vreg.scatter [tilespmem:s24], [sflag:$0x1], $0x80, v3, vm0, $0xb8;
	[tilespmem:$0x11000] =	vst v63  }
0x9e: {  	_ = 	snop  }
0x9f: {  	[hbm4b:s8+s3] =	stream.indirect_vreg.scatter [tilespmem:s25], [sflag:$0x1], $0x80, v3, vm0, $0xb8;
	[tilespmem:$0x11000] =	vst v63  }
0xa0: {  	v3 =	vld [tilespmem:s11+$0x800];
	_ =	sdelay $0x4  }
0xa1: {  	v62 =	vshll.u32 v3, $0x3  }
0xa2: {  	v3 =	vand.u32 $0x7, v3;
	v4 =	vand.u32 $0xFFFFFFC0, v62  }
0xa3: {  	v3 =	vor.u32 v3, v4  }
0xa4: {  	v4 =	vperm.xlane v3, v0;
	_ =	sdelay $0x1  }
0xa5: {  	v4 =	vadd.s32 v1, v4;
	_ =	sdelay $0x4  }
0xa6: {  	[hbm4b:s5+s3] =	stream.indirect_vreg.scatter [tilespmem:s26], [sflag:$0x1], $0x80, v4, vm0, $0xb8;
	[tilespmem:$0x11000] =	vst v63  }
0xa7: {  	v3 =	vperm.xlane v3, v2  }
0xa8: {  	[hbm4b:s6+s3] =	stream.indirect_vreg.scatter [tilespmem:s28], [sflag:$0x1], $0x80, v4, vm0, $0xb8;
	[tilespmem:$0x11000] =	vst v63  }
0xa9: {  	v3 =	vadd.s32 v1, v3  }
0xaa: {  	[hbm4b:s7+s3] =	stream.indirect_vreg.scatter [tilespmem:s29], [sflag:$0x1], $0x80, v4, vm0, $0xb8;
	[tilespmem:$0x11000] =	vst v63  }
0xab: {  	_ = 	snop  }
0xac: {  	[hbm4b:s8+s3] =	stream.indirect_vreg.scatter [tilespmem:s13], [sflag:$0x1], $0x80, v4, vm0, $0xb8;
	[tilespmem:$0x11000] =	vst v63  }
0xad: {  	s4 =	simm.s32 $0xB000  }
0xae: {  	[hbm4b:s5+s3] =	stream.indirect_vreg.scatter [tilespmem:s4], [sflag:$0x1], $0x80, v3, vm0, $0xb8;
	[tilespmem:$0x11000] =	vst v63  }
0xaf: {  	s9 =	simm.s32 $0xB800  }
0xb0: {  	[hbm4b:s6+s3] =	stream.indirect_vreg.scatter [tilespmem:s9], [sflag:$0x1], $0x80, v3, vm0, $0xb8;
	[tilespmem:$0x11000] =	vst v63  }
0xb1: {  	s10 =	simm.s32 $0xC000  }
0xb2: {  	[hbm4b:s7+s3] =	stream.indirect_vreg.scatter [tilespmem:s10], [sflag:$0x1], $0x80, v3, vm0, $0xb8;
	[tilespmem:$0x11000] =	vst v63  }
0xb3: {  	s11 =	simm.s32 $0xC800  }
0xb4: {  	[hbm4b:s8+s3] =	stream.indirect_vreg.scatter [tilespmem:s11], [sflag:$0x1], $0x80, v3, vm0, $0xb8;
	[tilespmem:$0x11000] =	vst v63  }
0xb5: {  	v3 =	vld [tilespmem:s0+$0x800];
	_ =	sdelay $0x4  }
0xb6: {  	v63 =	vshll.u32 v3, $0x3  }
0xb7: {  	v3 =	vand.u32 $0x7, v3;
	v4 =	vand.u32 $0xFFFFFFC0, v63  }
0xb8: {  	v3 =	vor.u32 v3, v4  }
0xb9: {  	v4 =	vperm.xlane v3, v0;
	_ =	sdelay $0x1  }
0xba: {  	v4 =	vadd.s32 v1, v4;
	_ =	sdelay $0x3  }
0xbb: {  	s31 =	simm.s32 $0xD000  }
0xbc: {  	[hbm4b:s5+s3] =	stream.indirect_vreg.scatter [tilespmem:s31], [sflag:$0x1], $0x80, v4, vm0, $0xb8;
	[tilespmem:$0x11000] =	vst v63  }
0xbd: {  	s2 =	simm.s32 $0xD800;
	v3 =	vperm.xlane v3, v2  }
0xbe: {  	[hbm4b:s6+s3] =	stream.indirect_vreg.scatter [tilespmem:s2], [sflag:$0x1], $0x80, v4, vm0, $0xb8;
	[tilespmem:$0x11000] =	vst v63  }
0xbf: {  	s4 =	simm.s32 $0xE000;
	v3 =	vadd.s32 v1, v3  }
0xc0: {  	[hbm4b:s7+s3] =	stream.indirect_vreg.scatter [tilespmem:s4], [sflag:$0x1], $0x80, v4, vm0, $0xb8;
	[tilespmem:$0x11000] =	vst v63  }
0xc1: {  	s9 =	simm.s32 $0xE800  }
0xc2: {  	[hbm4b:s8+s3] =	stream.indirect_vreg.scatter [tilespmem:s9], [sflag:$0x1], $0x80, v4, vm0, $0xb8;
	[tilespmem:$0x11000] =	vst v63  }
0xc3: {  	s10 =	simm.s32 $0xF000  }
0xc4: {  	[hbm4b:s5+s3] =	stream.indirect_vreg.scatter [tilespmem:s10], [sflag:$0x1], $0x80, v3, vm0, $0xb8;
	[tilespmem:$0x11000] =	vst v63  }
0xc5: {  	s11 =	simm.s32 $0xF800  }
0xc6: {  	[hbm4b:s6+s3] =	stream.indirect_vreg.scatter [tilespmem:s11], [sflag:$0x1], $0x80, v3, vm0, $0xb8;
	[tilespmem:$0x11000] =	vst v63  }
0xc7: {  	s31 =	simm.s32 $0x10000  }
0xc8: {  	[hbm4b:s7+s3] =	stream.indirect_vreg.scatter [tilespmem:s31], [sflag:$0x1], $0x80, v3, vm0, $0xb8;
	[tilespmem:$0x11000] =	vst v63  }
0xc9: {  	_ = 	snop  }
0xca: {  	[hbm4b:s8+s3] =	stream.indirect_vreg.scatter [tilespmem:s1], [sflag:$0x1], $0x80, v3, vm0, $0xb8;
	[tilespmem:$0x11000] =	vst v63  }
0xcb: {  	_ =	swait.ge [sflag:s30], $0x4000  }
0xcc: {  	[sflag:s30] =	ssyncset.done $0x0  }
0xcd: {  	[sflag:s30] =	ssyncadd.s32 $0xFFFFC000  }
0xce: {  	_ =	swait.ge [sflag:s30], $0x4000  }
0xcf: {  	[sflag:s30] =	ssyncset.done $0x0  }
0xd0: {  	[sflag:s30] =	ssyncadd.s32 $0xFFFFC000  }
0xd1: {  	_ =	swait.ge [sflag:s30], $0x4000  }
0xd2: {  	[sflag:s30] =	ssyncset.done $0x0  }
0xd3: {  	[sflag:s30] =	ssyncadd.s32 $0xFFFFC000  }
0xd4: {  	_ =	swait.ge [sflag:s30], $0x4000  }
0xd5: {  	[sflag:s30] =	ssyncset.done $0x0  }
0xd6: {  	[sflag:s30] =	ssyncadd.s32 $0xFFFFC000  }
0xd7: {  	_ =	swait.ge [sflag:s30], $0x4000  }
0xd8: {  	[sflag:s30] =	ssyncset.done $0x0  }
0xd9: {  	[sflag:s30] =	ssyncadd.s32 $0xFFFFC000  }
0xda: {  	_ =	swait.ge [sflag:s30], $0x4000  }
0xdb: {  	[sflag:s30] =	ssyncset.done $0x0  }
0xdc: {  	[sflag:s30] =	ssyncadd.s32 $0xFFFFC000  }
0xdd: {  	p0 =	sne.s32 s12, $0x1;
	_ =	swait.ge [sflag:s30], $0x4000  }
.Ltmp0:
0xde: {  	[sflag:s30] =	ssyncset.done $0x0;
	(pc) =	sbr.rel @p0 .LBB2_1-.Ltmp0, $4  }
0xdf: {  	[sflag:s30] =	ssyncadd.s32 $0xFFFFC000  }
0xe0: {  	_ =	swait.ge [sflag:s30], $0x4000  }
0xe1: {  	[sflag:s30] =	ssyncset.done $0x0  }
0xe2: {  	s12 =	sadd.s32 $0xFFFFFFFF, s12;
	[sflag:s30] =	ssyncadd.s32 $0xFFFFC000  }
0xe3: {  	_ =	sfence.sel $0x180000  }
0xe4: {  	[bflag:$0x0] =	sbarrier.arrive $0xFFFF  }
0xe5: {  	_ =	strace $0x90000047  }
0xe6: {  	s0 =	stileid.u32;
	[bflag:$0x2] =	sbarrier.arrive $0xFFFF  }
0xe7: {  	p0 =	sne.s32 s0, $0x0;
	s0 =	rddreg [dreg:$0x3]  }
0xe8: {  	s0 =	sadd.s32 @!p0 $0x100000, s0  }
0xe9: {  	[sflag:s0] =	ssyncadd.tile.s32 @!p0 $0x1;
	_ =	shalt  }
.Lfunc_end2:
_tile_overlayer_lowered:
.L_overlay_start_2:
0xea: {  	(tag) =	ssettag $0x2  }
0xeb: {  	s0 =	rddreg [dreg:$0x0];
	s2 =	stileid.u32  }
0xec: {  	s1 =	rddreg [dreg:$0x1];
	p0 =	sne.s32 s2, $0x0  }
0xed: {  	s3 =	rddreg [dreg:$0x2];
	[bflag:$0x3] =	sbarrier.arrive $0xFFFF;
	s2 =	simm.s32 @!p0 $0x1C02  }
0xee: {  	[timem:s3], [sflag:s2] =	dma.local @!p0 [hbm:s0], s1  }
0xef: {  	s0 =	simm.s32 @!p0 $0x2  }
0xf0: {  	_ =	swait.ge @!p0 [sflag:s0], s1  }
0xf1: {  	s1 =	ssub.s32 @!p0 $0x0, s1;
	[sflag:s0] =	ssyncset.done @!p0 $0x0  }
0xf2: {  	[sflag:s0] =	ssyncadd.s32 @!p0 s1  }
0xf3: {  	[bflag:$0x3] =	sbarrier.arrive $0xFFFF  }
0xf4: {  	_ =	shalt  }

</sc_bundles>
